<compile_context>
chip_gen: v7x
topology: tpu7x:2x2x1
jax: 0.10.2.dev20260603
libtpu: 0.0.44.dev20260713+nightly
codegen_flags: <defaults>
</compile_context>

<pallas_src>
import jax
import jax.numpy as jnp
from jax import lax
from jax.experimental import pallas as pl
from jax.experimental.pallas import tpu as pltpu
from jax.experimental.pallas import tpu_sc as plsc

N_NODES = 10000
N_EDGES = 160000
D_FEAT = 256
HALF = 128
NC = 2
NS = 16
EDGES_PER_TILE = N_EDGES // NS
CHUNK = 80
NCHUNK = EDGES_PER_TILE // CHUNK
ROWS_PER_TILE = N_NODES // NS
ZROWS = 25
WSLAB = 624


def _body(x_hbm, idx_hbm, dstidx_hbm, out_hbm,
          idx_v, dst_v, rows, zbuf, acc, gsem0, gsem1):
    c = lax.axis_index("c")
    s = lax.axis_index("s")

    ibase = pl.multiple_of(c * N_EDGES + s * EDGES_PER_TILE, 8)
    pltpu.sync_copy(idx_hbm.at[pl.ds(ibase, EDGES_PER_TILE)], idx_v)
    pltpu.sync_copy(dstidx_hbm.at[s], dst_v)

    sems = [gsem0, gsem1]

    def gslice(j):
        return idx_v.at[pl.ds(pl.multiple_of(j * CHUNK, 8), CHUNK)]

    def fire(b, j):
        pltpu.async_copy(x_hbm.at[gslice(j)], rows.at[b], sems[b])

    def drain_scatter(b, j):
        pltpu.make_async_copy(x_hbm.at[gslice(j)], rows.at[b],
                              sems[b]).wait()
        pltpu.sync_copy(rows.at[b], acc.at[dst_v.at[j]], add=True)

    fire(0, 0)
    fire(1, 1)

    zero16 = jnp.zeros((16,), jnp.float32)

    def zrow(r, carry):
        for k in range(HALF // 16):
            zbuf[r, pl.ds(k * 16, 16)] = zero16
        return carry
    lax.fori_loop(0, ZROWS, zrow, 0)
    obase = s * ROWS_PER_TILE
    for k in range(ROWS_PER_TILE // ZROWS):
        pltpu.sync_copy(zbuf, acc.at[pl.ds(obase + k * ZROWS, ZROWS)])
    plsc.subcore_barrier()

    def dbl(i, carry):
        drain_scatter(0, 2 * i)
        fire(0, 2 * i + 2)
        drain_scatter(1, 2 * i + 1)
        fire(1, 2 * i + 3)
        return carry
    lax.fori_loop(0, (NCHUNK - 3) // 2, dbl, 0)
    drain_scatter(0, NCHUNK - 3)
    fire(0, NCHUNK - 1)
    drain_scatter(1, NCHUNK - 2)
    drain_scatter(0, NCHUNK - 1)

    plsc.subcore_barrier()
    cbase = pl.multiple_of(c * HALF, HALF)
    wbase = pl.multiple_of(s * WSLAB, 8)
    pltpu.sync_copy(acc.at[pl.ds(wbase, WSLAB)],
                    out_hbm.at[pl.ds(wbase, WSLAB), pl.ds(cbase, HALF)])

    @pl.when(s == NS - 1)
    def _tail():
        tbase = NS * WSLAB
        pltpu.sync_copy(acc.at[pl.ds(tbase, N_NODES - NS * WSLAB)],
                        out_hbm.at[pl.ds(tbase, N_NODES - NS * WSLAB),
                                   pl.ds(cbase, HALF)])


_mesh = plsc.VectorSubcoreMesh(core_axis_name="c", subcore_axis_name="s")

_sc_call = pl.kernel(
    _body,
    out_type=jax.ShapeDtypeStruct((N_NODES, D_FEAT), jnp.float32),
    mesh=_mesh,
    scratch_types=[
        pltpu.VMEM((EDGES_PER_TILE,), jnp.int32),
        pltpu.VMEM((NCHUNK, CHUNK), jnp.int32),
        pltpu.VMEM((2, CHUNK, HALF), jnp.float32),
        pltpu.VMEM((ZROWS, HALF), jnp.float32),
        pltpu.VMEM_SHARED((N_NODES, HALF), jnp.float32),
        pltpu.SemaphoreType.DMA,
        pltpu.SemaphoreType.DMA,
    ],
)


def kernel(x, edge_index):
    x_r = x.reshape(2 * N_NODES, HALF)
    src = edge_index[0]
    dst = edge_index[1]
    src2 = src * 2
    idx2 = jnp.concatenate([src2, src2 + 1])
    dst2 = dst.reshape(NS, NCHUNK, CHUNK)
    return _sc_call(x_r, idx2, dst2)

# --- scband reference (transcript-rebuilt; emitter-appended) ---
"""Pipeline reference for scband-evi-passing-layer-33621003993513 (READ-ONLY COPY).

The authoritative reference and input builder live on the scoring server;
editing this copy changes nothing except your own understanding.
"""

import jax, jax.numpy as jnp
import numpy as np

N_NODES = 10000
N_EDGES = 160000
D_FEAT = 256

def setup_inputs(seed: int = 0) -> dict:
    key = jax.random.key(seed)
    k1, k2 = jax.random.split(key)
    x = jax.random.normal(k1, (N_NODES, D_FEAT), dtype=jnp.float32)
    edge_index = jax.random.randint(k2, (2, N_EDGES), 0, N_NODES, dtype=jnp.int64 if jax.config.jax_enable_x64 else jnp.int32).astype(jnp.int32)
    return {"x": x, "edge_index": edge_index}

def reference(x, edge_index):
    # DGL copy_u('h','m') + sum('m','o'):
    # each edge copies the source node feature, destination sums incoming messages.
    src = edge_index[0]
    dst = edge_index[1]
    messages = jnp.take(x, src, axis=0)          # gather: copy_u
    out = jax.ops.segment_sum(messages, dst, num_segments=N_NODES)  # scatter-add reduce
    return out

if __name__ == "__main__":
    import jax
    _d = setup_inputs()
    print(jax.jit(kernel)(*tuple(_d.values())))

</pallas_src>

<mosaic_0001>
#map = affine_map<(d0, d1) -> (0, 0)>
#map1 = affine_map<(d0, d1) -> (0)>
#map2 = affine_map<(d0, d1) -> (0, 0, 0)>
module attributes {stable_mosaic.version = 14 : i64} {
  func.func @_body(%arg0: i32, %arg1: i32, %arg2: memref<20000x128xf32, #tpu.memory_space<hbm>>, %arg3: memref<320000xi32, #tpu.memory_space<hbm>>, %arg4: memref<16x125x80xi32, #tpu.memory_space<hbm>>, %arg5: memref<10000x256xf32, #tpu.memory_space<hbm>>, %arg6: memref<10000xi32, #tpu.memory_space<vmem>>, %arg7: memref<125x80xi32, #tpu.memory_space<vmem>>, %arg8: memref<2x80x128xf32, #tpu.memory_space<vmem>>, %arg9: memref<25x128xf32, #tpu.memory_space<vmem>>, %arg10: memref<10000x128xf32, #tpu.memory_space<vmem_shared>>, %arg11: memref<!tpu.dma_semaphore, #tpu.memory_space<semaphore_mem>>, %arg12: memref<!tpu.dma_semaphore, #tpu.memory_space<semaphore_mem>>) attributes {dimension_semantics = [#tpu.dimension_semantics<core_parallel>, #tpu.dimension_semantics<subcore_parallel>], iteration_bounds = array<i64: 2, 16>, scalar_prefetch = 0 : i64, scratch_operands = 7 : i64, tpu.core_type = #tpu.core_type<sc_vector_subcore>, window_params = [{transform_indices = #map}, {transform_indices = #map1}, {transform_indices = #map2}, {transform_indices = #map}]} {
    %mul3A = arith.constant 160000 : i32
    %mul3A_0 = arith.muli %arg0, %mul3A : i32
    %mul3A_1 = arith.constant 10000 : i32
    %mul3A_2 = arith.muli %arg1, %mul3A_1 : i32
    %add3A = arith.addi %mul3A_0, %mul3A_2 : i32
    %multiple_of3A = tpu.assume_multiple %add3A, 8 : i32
    "tpu.region"() ({
      %run_scoped3A_145 = tpu.sem_alloc : memref<!tpu.dma_semaphore, #tpu.memory_space<semaphore_mem>>
      %dma_start3A_146 = tpu.memref_slice %arg3[%multiple_of3A] : memref<320000xi32, #tpu.memory_space<hbm>> -> memref<10000xi32, #tpu.memory_space<hbm>>
      %dma_start3A_147 = tpu.memref_slice %arg3[%multiple_of3A] : memref<320000xi32, #tpu.memory_space<hbm>> -> memref<10000xi32, #tpu.memory_space<hbm>>
      tpu.enqueue_dma source(%dma_start3A_147 : memref<10000xi32, #tpu.memory_space<hbm>>) target(%arg6 : memref<10000xi32, #tpu.memory_space<vmem>>) target_semaphore(%run_scoped3A_145 : memref<!tpu.dma_semaphore, #tpu.memory_space<semaphore_mem>>)
      %dma_wait3A_148 = tpu.memref_slice %arg3[%multiple_of3A] : memref<320000xi32, #tpu.memory_space<hbm>> -> memref<10000xi32, #tpu.memory_space<hbm>>
      %dma_wait3A_149 = tpu.memref_slice %arg3[%multiple_of3A] : memref<320000xi32, #tpu.memory_space<hbm>> -> memref<10000xi32, #tpu.memory_space<hbm>>
      tpu.wait_dma2 semaphore(%run_scoped3A_145 : memref<!tpu.dma_semaphore, #tpu.memory_space<semaphore_mem>>) src(%dma_wait3A_149 : memref<10000xi32, #tpu.memory_space<hbm>>) dst(%arg6 : memref<10000xi32, #tpu.memory_space<vmem>>)
      tpu.yield
    }) : () -> ()
    "tpu.region"() ({
      %run_scoped3A_145 = tpu.sem_alloc : memref<!tpu.dma_semaphore, #tpu.memory_space<semaphore_mem>>
      %dma_start3A_146 = arith.constant 0 : i32
      %dma_start3A_147 = arith.constant 0 : i32
      %dma_start3A_148 = tpu.memref_slice %arg4[%arg1, %dma_start3A_146, %dma_start3A_147] : memref<16x125x80xi32, #tpu.memory_space<hbm>> -> memref<1x125x80xi32, #tpu.memory_space<hbm>>
      %dma_start3A_149 = tpu.memref_squeeze %dma_start3A_148 : memref<1x125x80xi32, #tpu.memory_space<hbm>> -> memref<125x80xi32, #tpu.memory_space<hbm>>
      %dma_start3A_150 = arith.constant 0 : i32
      %dma_start3A_151 = arith.constant 0 : i32
      %dma_start3A_152 = tpu.memref_slice %arg4[%arg1, %dma_start3A_150, %dma_start3A_151] : memref<16x125x80xi32, #tpu.memory_space<hbm>> -> memref<1x125x80xi32, #tpu.memory_space<hbm>>
      %dma_start3A_153 = tpu.memref_squeeze %dma_start3A_152 : memref<1x125x80xi32, #tpu.memory_space<hbm>> -> memref<125x80xi32, #tpu.memory_space<hbm>>
      tpu.enqueue_dma source(%dma_start3A_153 : memref<125x80xi32, #tpu.memory_space<hbm>>) target(%arg7 : memref<125x80xi32, #tpu.memory_space<vmem>>) target_semaphore(%run_scoped3A_145 : memref<!tpu.dma_semaphore, #tpu.memory_space<semaphore_mem>>)
      %dma_wait3A_154 = arith.constant 0 : i32
      %dma_wait3A_155 = arith.constant 0 : i32
      %dma_wait3A_156 = tpu.memref_slice %arg4[%arg1, %dma_wait3A_154, %dma_wait3A_155] : memref<16x125x80xi32, #tpu.memory_space<hbm>> -> memref<1x125x80xi32, #tpu.memory_space<hbm>>
      %dma_wait3A_157 = tpu.memref_squeeze %dma_wait3A_156 : memref<1x125x80xi32, #tpu.memory_space<hbm>> -> memref<125x80xi32, #tpu.memory_space<hbm>>
      %dma_wait3A_158 = arith.constant 0 : i32
      %dma_wait3A_159 = arith.constant 0 : i32
      %dma_wait3A_160 = tpu.memref_slice %arg4[%arg1, %dma_wait3A_158, %dma_wait3A_159] : memref<16x125x80xi32, #tpu.memory_space<hbm>> -> memref<1x125x80xi32, #tpu.memory_space<hbm>>
      %dma_wait3A_161 = tpu.memref_squeeze %dma_wait3A_160 : memref<1x125x80xi32, #tpu.memory_space<hbm>> -> memref<125x80xi32, #tpu.memory_space<hbm>>
      tpu.wait_dma2 semaphore(%run_scoped3A_145 : memref<!tpu.dma_semaphore, #tpu.memory_space<semaphore_mem>>) src(%dma_wait3A_161 : memref<125x80xi32, #tpu.memory_space<hbm>>) dst(%arg7 : memref<125x80xi32, #tpu.memory_space<vmem>>)
      tpu.yield
    }) : () -> ()
    %multiple_of3A_3 = arith.constant 0 : i32
    %multiple_of3A_4 = tpu.assume_multiple %multiple_of3A_3, 8 : i32
    %dma_start3A = arith.constant 0 : i32
    %dma_start3A_5 = arith.constant 0 : i32
    %dma_start3A_6 = arith.constant 0 : i32
    %dma_start3A_7 = tpu.memref_slice %arg8[%dma_start3A, %dma_start3A_5, %dma_start3A_6] : memref<2x80x128xf32, #tpu.memory_space<vmem>> -> memref<1x80x128xf32, #tpu.memory_space<vmem>>
    %dma_start3A_8 = tpu.memref_squeeze %dma_start3A_7 : memref<1x80x128xf32, #tpu.memory_space<vmem>> -> memref<80x128xf32, #tpu.memory_space<vmem>>
    %dma_start3A_9 = tpu.memref_slice %arg6[%multiple_of3A_4] : memref<10000xi32, #tpu.memory_space<vmem>> -> memref<80xi32, #tpu.memory_space<vmem>>
    %dma_start3A_10 = arith.constant 0 : i32
    %dma_start3A_11 = arith.constant 0 : i32
    %dma_start3A_12 = tpu.memref_slice %arg2[%dma_start3A_10, %dma_start3A_11] : memref<20000x128xf32, #tpu.memory_space<hbm>> -> memref<20000x128xf32, #tpu.memory_space<hbm>>
    tpu.enqueue_indirect_dma source(%dma_start3A_12 : memref<20000x128xf32, #tpu.memory_space<hbm>>) target(%dma_start3A_8 : memref<80x128xf32, #tpu.memory_space<vmem>>) offsets(%dma_start3A_9 : memref<80xi32, #tpu.memory_space<vmem>>) semaphore(%arg11 : memref<!tpu.dma_semaphore, #tpu.memory_space<semaphore_mem>>)
    %multiple_of3A_13 = arith.constant 80 : i32
    %multiple_of3A_14 = tpu.assume_multiple %multiple_of3A_13, 8 : i32
    %dma_start3A_15 = arith.constant 1 : i32
    %dma_start3A_16 = arith.constant 0 : i32
    %dma_start3A_17 = arith.constant 0 : i32
    %dma_start3A_18 = tpu.memref_slice %arg8[%dma_start3A_15, %dma_start3A_16, %dma_start3A_17] : memref<2x80x128xf32, #tpu.memory_space<vmem>> -> memref<1x80x128xf32, #tpu.memory_space<vmem>>
    %dma_start3A_19 = tpu.memref_squeeze %dma_start3A_18 : memref<1x80x128xf32, #tpu.memory_space<vmem>> -> memref<80x128xf32, #tpu.memory_space<vmem>>
    %dma_start3A_20 = tpu.memref_slice %arg6[%multiple_of3A_14] : memref<10000xi32, #tpu.memory_space<vmem>> -> memref<80xi32, #tpu.memory_space<vmem>>
    %dma_start3A_21 = arith.constant 0 : i32
    %dma_start3A_22 = arith.constant 0 : i32
    %dma_start3A_23 = tpu.memref_slice %arg2[%dma_start3A_21, %dma_start3A_22] : memref<20000x128xf32, #tpu.memory_space<hbm>> -> memref<20000x128xf32, #tpu.memory_space<hbm>>
    tpu.enqueue_indirect_dma source(%dma_start3A_23 : memref<20000x128xf32, #tpu.memory_space<hbm>>) target(%dma_start3A_19 : memref<80x128xf32, #tpu.memory_space<vmem>>) offsets(%dma_start3A_20 : memref<80xi32, #tpu.memory_space<vmem>>) semaphore(%arg12 : memref<!tpu.dma_semaphore, #tpu.memory_space<semaphore_mem>>)
    %broadcast_in_dim3A = arith.constant 0.000000e+00 : f32
    %broadcast_in_dim3A_24 = vector.broadcast %broadcast_in_dim3A : f32 to vector<16xf32>
    %scan3A = arith.constant 0 : i32
    %scan3A_25 = arith.constant 0 : i32
    %scan3A_26 = arith.constant 25 : i32
    %scan3A_27 = arith.addi %scan3A_25, %scan3A_26 : i32
    %scan3A_28 = arith.constant 1 : i32
    scf.for %scan3A_145 = %scan3A_25 to %scan3A_27 step %scan3A_28  : i32 {
      %swap3A = arith.index_cast %scan3A_145 : i32 to index
      %swap3A_146 = arith.constant 0 : index
      %swap3A_147 = tpu.vector_load %arg9[%swap3A, %swap3A_146] {strides = array<i32>} : memref<25x128xf32, #tpu.memory_space<vmem>>, vector<1x16xf32>,
      %swap3A_148 = vector.shape_cast %swap3A_147 : vector<1x16xf32> to vector<16xf32>
      %swap3A_149 = vector.shape_cast %broadcast_in_dim3A_24 : vector<16xf32> to vector<1x16xf32>
      tpu.vector_store %arg9[%swap3A, %swap3A_146], %swap3A_149 {strides = array<i32>} : memref<25x128xf32, #tpu.memory_space<vmem>>, vector<1x16xf32>,
      %swap3A_150 = arith.index_cast %scan3A_145 : i32 to index
      %swap3A_151 = arith.constant 16 : index
      %swap3A_152 = tpu.vector_load %arg9[%swap3A_150, %swap3A_151] {strides = array<i32>} : memref<25x128xf32, #tpu.memory_space<vmem>>, vector<1x16xf32>,
      %swap3A_153 = vector.shape_cast %swap3A_152 : vector<1x16xf32> to vector<16xf32>
      %swap3A_154 = vector.shape_cast %broadcast_in_dim3A_24 : vector<16xf32> to vector<1x16xf32>
      tpu.vector_store %arg9[%swap3A_150, %swap3A_151], %swap3A_154 {strides = array<i32>} : memref<25x128xf32, #tpu.memory_space<vmem>>, vector<1x16xf32>,
      %swap3A_155 = arith.index_cast %scan3A_145 : i32 to index
      %swap3A_156 = arith.constant 32 : index
      %swap3A_157 = tpu.vector_load %arg9[%swap3A_155, %swap3A_156] {strides = array<i32>} : memref<25x128xf32, #tpu.memory_space<vmem>>, vector<1x16xf32>,
      %swap3A_158 = vector.shape_cast %swap3A_157 : vector<1x16xf32> to vector<16xf32>
      %swap3A_159 = vector.shape_cast %broadcast_in_dim3A_24 : vector<16xf32> to vector<1x16xf32>
      tpu.vector_store %arg9[%swap3A_155, %swap3A_156], %swap3A_159 {strides = array<i32>} : memref<25x128xf32, #tpu.memory_space<vmem>>, vector<1x16xf32>,
      %swap3A_160 = arith.index_cast %scan3A_145 : i32 to index
      %swap3A_161 = arith.constant 48 : index
      %swap3A_162 = tpu.vector_load %arg9[%swap3A_160, %swap3A_161] {strides = array<i32>} : memref<25x128xf32, #tpu.memory_space<vmem>>, vector<1x16xf32>,
      %swap3A_163 = vector.shape_cast %swap3A_162 : vector<1x16xf32> to vector<16xf32>
      %swap3A_164 = vector.shape_cast %broadcast_in_dim3A_24 : vector<16xf32> to vector<1x16xf32>
      tpu.vector_store %arg9[%swap3A_160, %swap3A_161], %swap3A_164 {strides = array<i32>} : memref<25x128xf32, #tpu.memory_space<vmem>>, vector<1x16xf32>,
      %swap3A_165 = arith.index_cast %scan3A_145 : i32 to index
      %swap3A_166 = arith.constant 64 : index
      %swap3A_167 = tpu.vector_load %arg9[%swap3A_165, %swap3A_166] {strides = array<i32>} : memref<25x128xf32, #tpu.memory_space<vmem>>, vector<1x16xf32>,
      %swap3A_168 = vector.shape_cast %swap3A_167 : vector<1x16xf32> to vector<16xf32>
      %swap3A_169 = vector.shape_cast %broadcast_in_dim3A_24 : vector<16xf32> to vector<1x16xf32>
      tpu.vector_store %arg9[%swap3A_165, %swap3A_166], %swap3A_169 {strides = array<i32>} : memref<25x128xf32, #tpu.memory_space<vmem>>, vector<1x16xf32>,
      %swap3A_170 = arith.index_cast %scan3A_145 : i32 to index
      %swap3A_171 = arith.constant 80 : index
      %swap3A_172 = tpu.vector_load %arg9[%swap3A_170, %swap3A_171] {strides = array<i32>} : memref<25x128xf32, #tpu.memory_space<vmem>>, vector<1x16xf32>,
      %swap3A_173 = vector.shape_cast %swap3A_172 : vector<1x16xf32> to vector<16xf32>
      %swap3A_174 = vector.shape_cast %broadcast_in_dim3A_24 : vector<16xf32> to vector<1x16xf32>
      tpu.vector_store %arg9[%swap3A_170, %swap3A_171], %swap3A_174 {strides = array<i32>} : memref<25x128xf32, #tpu.memory_space<vmem>>, vector<1x16xf32>,
      %swap3A_175 = arith.index_cast %scan3A_145 : i32 to index
      %swap3A_176 = arith.constant 96 : index
      %swap3A_177 = tpu.vector_load %arg9[%swap3A_175, %swap3A_176] {strides = array<i32>} : memref<25x128xf32, #tpu.memory_space<vmem>>, vector<1x16xf32>,
      %swap3A_178 = vector.shape_cast %swap3A_177 : vector<1x16xf32> to vector<16xf32>
      %swap3A_179 = vector.shape_cast %broadcast_in_dim3A_24 : vector<16xf32> to vector<1x16xf32>
      tpu.vector_store %arg9[%swap3A_175, %swap3A_176], %swap3A_179 {strides = array<i32>} : memref<25x128xf32, #tpu.memory_space<vmem>>, vector<1x16xf32>,
      %swap3A_180 = arith.index_cast %scan3A_145 : i32 to index
      %swap3A_181 = arith.constant 112 : index
      %swap3A_182 = tpu.vector_load %arg9[%swap3A_180, %swap3A_181] {strides = array<i32>} : memref<25x128xf32, #tpu.memory_space<vmem>>, vector<1x16xf32>,
      %swap3A_183 = vector.shape_cast %swap3A_182 : vector<1x16xf32> to vector<16xf32>
      %swap3A_184 = vector.shape_cast %broadcast_in_dim3A_24 : vector<16xf32> to vector<1x16xf32>
      tpu.vector_store %arg9[%swap3A_180, %swap3A_181], %swap3A_184 {strides = array<i32>} : memref<25x128xf32, #tpu.memory_space<vmem>>, vector<1x16xf32>,
    }
    %scan3A_29 = arith.constant 25 : i32
    %mul3A_30 = arith.constant 625 : i32
    %mul3A_31 = arith.muli %arg1, %mul3A_30 : i32
    %add3A_32 = arith.constant 0 : i32
    %add3A_33 = arith.addi %mul3A_31, %add3A_32 : i32
    "tpu.region"() ({
      %run_scoped3A_145 = tpu.sem_alloc : memref<!tpu.dma_semaphore, #tpu.memory_space<semaphore_mem>>
      %dma_start3A_146 = arith.constant 0 : i32
      %dma_start3A_147 = tpu.memref_slice %arg10[%add3A_33, %dma_start3A_146] : memref<10000x128xf32, #tpu.memory_space<vmem_shared>> -> memref<25x128xf32, #tpu.memory_space<vmem_shared>>
      %dma_start3A_148 = arith.constant 0 : i32
      %dma_start3A_149 = tpu.memref_slice %arg10[%add3A_33, %dma_start3A_148] : memref<10000x128xf32, #tpu.memory_space<vmem_shared>> -> memref<25x128xf32, #tpu.memory_space<vmem_shared>>
      tpu.enqueue_dma source(%arg9 : memref<25x128xf32, #tpu.memory_space<vmem>>) target(%dma_start3A_149 : memref<25x128xf32, #tpu.memory_space<vmem_shared>>) target_semaphore(%run_scoped3A_145 : memref<!tpu.dma_semaphore, #tpu.memory_space<semaphore_mem>>)
      %dma_wait3A_150 = arith.constant 0 : i32
      %dma_wait3A_151 = tpu.memref_slice %arg10[%add3A_33, %dma_wait3A_150] : memref<10000x128xf32, #tpu.memory_space<vmem_shared>> -> memref<25x128xf32, #tpu.memory_space<vmem_shared>>
      %dma_wait3A_152 = arith.constant 0 : i32
      %dma_wait3A_153 = tpu.memref_slice %arg10[%add3A_33, %dma_wait3A_152] : memref<10000x128xf32, #tpu.memory_space<vmem_shared>> -> memref<25x128xf32, #tpu.memory_space<vmem_shared>>
      tpu.wait_dma2 semaphore(%run_scoped3A_145 : memref<!tpu.dma_semaphore, #tpu.memory_space<semaphore_mem>>) src(%arg9 : memref<25x128xf32, #tpu.memory_space<vmem>>) dst(%dma_wait3A_153 : memref<25x128xf32, #tpu.memory_space<vmem_shared>>)
      tpu.yield
    }) : () -> ()
    %add3A_34 = arith.constant 25 : i32
    %add3A_35 = arith.addi %mul3A_31, %add3A_34 : i32
    "tpu.region"() ({
      %run_scoped3A_145 = tpu.sem_alloc : memref<!tpu.dma_semaphore, #tpu.memory_space<semaphore_mem>>
      %dma_start3A_146 = arith.constant 0 : i32
      %dma_start3A_147 = tpu.memref_slice %arg10[%add3A_35, %dma_start3A_146] : memref<10000x128xf32, #tpu.memory_space<vmem_shared>> -> memref<25x128xf32, #tpu.memory_space<vmem_shared>>
      %dma_start3A_148 = arith.constant 0 : i32
      %dma_start3A_149 = tpu.memref_slice %arg10[%add3A_35, %dma_start3A_148] : memref<10000x128xf32, #tpu.memory_space<vmem_shared>> -> memref<25x128xf32, #tpu.memory_space<vmem_shared>>
      tpu.enqueue_dma source(%arg9 : memref<25x128xf32, #tpu.memory_space<vmem>>) target(%dma_start3A_149 : memref<25x128xf32, #tpu.memory_space<vmem_shared>>) target_semaphore(%run_scoped3A_145 : memref<!tpu.dma_semaphore, #tpu.memory_space<semaphore_mem>>)
      %dma_wait3A_150 = arith.constant 0 : i32
      %dma_wait3A_151 = tpu.memref_slice %arg10[%add3A_35, %dma_wait3A_150] : memref<10000x128xf32, #tpu.memory_space<vmem_shared>> -> memref<25x128xf32, #tpu.memory_space<vmem_shared>>
      %dma_wait3A_152 = arith.constant 0 : i32
      %dma_wait3A_153 = tpu.memref_slice %arg10[%add3A_35, %dma_wait3A_152] : memref<10000x128xf32, #tpu.memory_space<vmem_shared>> -> memref<25x128xf32, #tpu.memory_space<vmem_shared>>
      tpu.wait_dma2 semaphore(%run_scoped3A_145 : memref<!tpu.dma_semaphore, #tpu.memory_space<semaphore_mem>>) src(%arg9 : memref<25x128xf32, #tpu.memory_space<vmem>>) dst(%dma_wait3A_153 : memref<25x128xf32, #tpu.memory_space<vmem_shared>>)
      tpu.yield
    }) : () -> ()
    %add3A_36 = arith.constant 50 : i32
    %add3A_37 = arith.addi %mul3A_31, %add3A_36 : i32
    "tpu.region"() ({
      %run_scoped3A_145 = tpu.sem_alloc : memref<!tpu.dma_semaphore, #tpu.memory_space<semaphore_mem>>
      %dma_start3A_146 = arith.constant 0 : i32
      %dma_start3A_147 = tpu.memref_slice %arg10[%add3A_37, %dma_start3A_146] : memref<10000x128xf32, #tpu.memory_space<vmem_shared>> -> memref<25x128xf32, #tpu.memory_space<vmem_shared>>
      %dma_start3A_148 = arith.constant 0 : i32
      %dma_start3A_149 = tpu.memref_slice %arg10[%add3A_37, %dma_start3A_148] : memref<10000x128xf32, #tpu.memory_space<vmem_shared>> -> memref<25x128xf32, #tpu.memory_space<vmem_shared>>
      tpu.enqueue_dma source(%arg9 : memref<25x128xf32, #tpu.memory_space<vmem>>) target(%dma_start3A_149 : memref<25x128xf32, #tpu.memory_space<vmem_shared>>) target_semaphore(%run_scoped3A_145 : memref<!tpu.dma_semaphore, #tpu.memory_space<semaphore_mem>>)
      %dma_wait3A_150 = arith.constant 0 : i32
      %dma_wait3A_151 = tpu.memref_slice %arg10[%add3A_37, %dma_wait3A_150] : memref<10000x128xf32, #tpu.memory_space<vmem_shared>> -> memref<25x128xf32, #tpu.memory_space<vmem_shared>>
      %dma_wait3A_152 = arith.constant 0 : i32
      %dma_wait3A_153 = tpu.memref_slice %arg10[%add3A_37, %dma_wait3A_152] : memref<10000x128xf32, #tpu.memory_space<vmem_shared>> -> memref<25x128xf32, #tpu.memory_space<vmem_shared>>
      tpu.wait_dma2 semaphore(%run_scoped3A_145 : memref<!tpu.dma_semaphore, #tpu.memory_space<semaphore_mem>>) src(%arg9 : memref<25x128xf32, #tpu.memory_space<vmem>>) dst(%dma_wait3A_153 : memref<25x128xf32, #tpu.memory_space<vmem_shared>>)
      tpu.yield
    }) : () -> ()
    %add3A_38 = arith.constant 75 : i32
    %add3A_39 = arith.addi %mul3A_31, %add3A_38 : i32
    "tpu.region"() ({
      %run_scoped3A_145 = tpu.sem_alloc : memref<!tpu.dma_semaphore, #tpu.memory_space<semaphore_mem>>
      %dma_start3A_146 = arith.constant 0 : i32
      %dma_start3A_147 = tpu.memref_slice %arg10[%add3A_39, %dma_start3A_146] : memref<10000x128xf32, #tpu.memory_space<vmem_shared>> -> memref<25x128xf32, #tpu.memory_space<vmem_shared>>
      %dma_start3A_148 = arith.constant 0 : i32
      %dma_start3A_149 = tpu.memref_slice %arg10[%add3A_39, %dma_start3A_148] : memref<10000x128xf32, #tpu.memory_space<vmem_shared>> -> memref<25x128xf32, #tpu.memory_space<vmem_shared>>
      tpu.enqueue_dma source(%arg9 : memref<25x128xf32, #tpu.memory_space<vmem>>) target(%dma_start3A_149 : memref<25x128xf32, #tpu.memory_space<vmem_shared>>) target_semaphore(%run_scoped3A_145 : memref<!tpu.dma_semaphore, #tpu.memory_space<semaphore_mem>>)
      %dma_wait3A_150 = arith.constant 0 : i32
      %dma_wait3A_151 = tpu.memref_slice %arg10[%add3A_39, %dma_wait3A_150] : memref<10000x128xf32, #tpu.memory_space<vmem_shared>> -> memref<25x128xf32, #tpu.memory_space<vmem_shared>>
      %dma_wait3A_152 = arith.constant 0 : i32
      %dma_wait3A_153 = tpu.memref_slice %arg10[%add3A_39, %dma_wait3A_152] : memref<10000x128xf32, #tpu.memory_space<vmem_shared>> -> memref<25x128xf32, #tpu.memory_space<vmem_shared>>
      tpu.wait_dma2 semaphore(%run_scoped3A_145 : memref<!tpu.dma_semaphore, #tpu.memory_space<semaphore_mem>>) src(%arg9 : memref<25x128xf32, #tpu.memory_space<vmem>>) dst(%dma_wait3A_153 : memref<25x128xf32, #tpu.memory_space<vmem_shared>>)
      tpu.yield
    }) : () -> ()
    %add3A_40 = arith.constant 100 : i32
    %add3A_41 = arith.addi %mul3A_31, %add3A_40 : i32
    "tpu.region"() ({
      %run_scoped3A_145 = tpu.sem_alloc : memref<!tpu.dma_semaphore, #tpu.memory_space<semaphore_mem>>
      %dma_start3A_146 = arith.constant 0 : i32
      %dma_start3A_147 = tpu.memref_slice %arg10[%add3A_41, %dma_start3A_146] : memref<10000x128xf32, #tpu.memory_space<vmem_shared>> -> memref<25x128xf32, #tpu.memory_space<vmem_shared>>
      %dma_start3A_148 = arith.constant 0 : i32
      %dma_start3A_149 = tpu.memref_slice %arg10[%add3A_41, %dma_start3A_148] : memref<10000x128xf32, #tpu.memory_space<vmem_shared>> -> memref<25x128xf32, #tpu.memory_space<vmem_shared>>
      tpu.enqueue_dma source(%arg9 : memref<25x128xf32, #tpu.memory_space<vmem>>) target(%dma_start3A_149 : memref<25x128xf32, #tpu.memory_space<vmem_shared>>) target_semaphore(%run_scoped3A_145 : memref<!tpu.dma_semaphore, #tpu.memory_space<semaphore_mem>>)
      %dma_wait3A_150 = arith.constant 0 : i32
      %dma_wait3A_151 = tpu.memref_slice %arg10[%add3A_41, %dma_wait3A_150] : memref<10000x128xf32, #tpu.memory_space<vmem_shared>> -> memref<25x128xf32, #tpu.memory_space<vmem_shared>>
      %dma_wait3A_152 = arith.constant 0 : i32
      %dma_wait3A_153 = tpu.memref_slice %arg10[%add3A_41, %dma_wait3A_152] : memref<10000x128xf32, #tpu.memory_space<vmem_shared>> -> memref<25x128xf32, #tpu.memory_space<vmem_shared>>
      tpu.wait_dma2 semaphore(%run_scoped3A_145 : memref<!tpu.dma_semaphore, #tpu.memory_space<semaphore_mem>>) src(%arg9 : memref<25x128xf32, #tpu.memory_space<vmem>>) dst(%dma_wait3A_153 : memref<25x128xf32, #tpu.memory_space<vmem_shared>>)
      tpu.yield
    }) : () -> ()
    %add3A_42 = arith.constant 125 : i32
    %add3A_43 = arith.addi %mul3A_31, %add3A_42 : i32
    "tpu.region"() ({
      %run_scoped3A_145 = tpu.sem_alloc : memref<!tpu.dma_semaphore, #tpu.memory_space<semaphore_mem>>
      %dma_start3A_146 = arith.constant 0 : i32
      %dma_start3A_147 = tpu.memref_slice %arg10[%add3A_43, %dma_start3A_146] : memref<10000x128xf32, #tpu.memory_space<vmem_shared>> -> memref<25x128xf32, #tpu.memory_space<vmem_shared>>
      %dma_start3A_148 = arith.constant 0 : i32
      %dma_start3A_149 = tpu.memref_slice %arg10[%add3A_43, %dma_start3A_148] : memref<10000x128xf32, #tpu.memory_space<vmem_shared>> -> memref<25x128xf32, #tpu.memory_space<vmem_shared>>
      tpu.enqueue_dma source(%arg9 : memref<25x128xf32, #tpu.memory_space<vmem>>) target(%dma_start3A_149 : memref<25x128xf32, #tpu.memory_space<vmem_shared>>) target_semaphore(%run_scoped3A_145 : memref<!tpu.dma_semaphore, #tpu.memory_space<semaphore_mem>>)
      %dma_wait3A_150 = arith.constant 0 : i32
      %dma_wait3A_151 = tpu.memref_slice %arg10[%add3A_43, %dma_wait3A_150] : memref<10000x128xf32, #tpu.memory_space<vmem_shared>> -> memref<25x128xf32, #tpu.memory_space<vmem_shared>>
      %dma_wait3A_152 = arith.constant 0 : i32
      %dma_wait3A_153 = tpu.memref_slice %arg10[%add3A_43, %dma_wait3A_152] : memref<10000x128xf32, #tpu.memory_space<vmem_shared>> -> memref<25x128xf32, #tpu.memory_space<vmem_shared>>
      tpu.wait_dma2 semaphore(%run_scoped3A_145 : memref<!tpu.dma_semaphore, #tpu.memory_space<semaphore_mem>>) src(%arg9 : memref<25x128xf32, #tpu.memory_space<vmem>>) dst(%dma_wait3A_153 : memref<25x128xf32, #tpu.memory_space<vmem_shared>>)
      tpu.yield
    }) : () -> ()
    %add3A_44 = arith.constant 150 : i32
    %add3A_45 = arith.addi %mul3A_31, %add3A_44 : i32
    "tpu.region"() ({
      %run_scoped3A_145 = tpu.sem_alloc : memref<!tpu.dma_semaphore, #tpu.memory_space<semaphore_mem>>
      %dma_start3A_146 = arith.constant 0 : i32
      %dma_start3A_147 = tpu.memref_slice %arg10[%add3A_45, %dma_start3A_146] : memref<10000x128xf32, #tpu.memory_space<vmem_shared>> -> memref<25x128xf32, #tpu.memory_space<vmem_shared>>
      %dma_start3A_148 = arith.constant 0 : i32
      %dma_start3A_149 = tpu.memref_slice %arg10[%add3A_45, %dma_start3A_148] : memref<10000x128xf32, #tpu.memory_space<vmem_shared>> -> memref<25x128xf32, #tpu.memory_space<vmem_shared>>
      tpu.enqueue_dma source(%arg9 : memref<25x128xf32, #tpu.memory_space<vmem>>) target(%dma_start3A_149 : memref<25x128xf32, #tpu.memory_space<vmem_shared>>) target_semaphore(%run_scoped3A_145 : memref<!tpu.dma_semaphore, #tpu.memory_space<semaphore_mem>>)
      %dma_wait3A_150 = arith.constant 0 : i32
      %dma_wait3A_151 = tpu.memref_slice %arg10[%add3A_45, %dma_wait3A_150] : memref<10000x128xf32, #tpu.memory_space<vmem_shared>> -> memref<25x128xf32, #tpu.memory_space<vmem_shared>>
      %dma_wait3A_152 = arith.constant 0 : i32
      %dma_wait3A_153 = tpu.memref_slice %arg10[%add3A_45, %dma_wait3A_152] : memref<10000x128xf32, #tpu.memory_space<vmem_shared>> -> memref<25x128xf32, #tpu.memory_space<vmem_shared>>
      tpu.wait_dma2 semaphore(%run_scoped3A_145 : memref<!tpu.dma_semaphore, #tpu.memory_space<semaphore_mem>>) src(%arg9 : memref<25x128xf32, #tpu.memory_space<vmem>>) dst(%dma_wait3A_153 : memref<25x128xf32, #tpu.memory_space<vmem_shared>>)
      tpu.yield
    }) : () -> ()
    %add3A_46 = arith.constant 175 : i32
    %add3A_47 = arith.addi %mul3A_31, %add3A_46 : i32
    "tpu.region"() ({
      %run_scoped3A_145 = tpu.sem_alloc : memref<!tpu.dma_semaphore, #tpu.memory_space<semaphore_mem>>
      %dma_start3A_146 = arith.constant 0 : i32
      %dma_start3A_147 = tpu.memref_slice %arg10[%add3A_47, %dma_start3A_146] : memref<10000x128xf32, #tpu.memory_space<vmem_shared>> -> memref<25x128xf32, #tpu.memory_space<vmem_shared>>
      %dma_start3A_148 = arith.constant 0 : i32
      %dma_start3A_149 = tpu.memref_slice %arg10[%add3A_47, %dma_start3A_148] : memref<10000x128xf32, #tpu.memory_space<vmem_shared>> -> memref<25x128xf32, #tpu.memory_space<vmem_shared>>
      tpu.enqueue_dma source(%arg9 : memref<25x128xf32, #tpu.memory_space<vmem>>) target(%dma_start3A_149 : memref<25x128xf32, #tpu.memory_space<vmem_shared>>) target_semaphore(%run_scoped3A_145 : memref<!tpu.dma_semaphore, #tpu.memory_space<semaphore_mem>>)
      %dma_wait3A_150 = arith.constant 0 : i32
      %dma_wait3A_151 = tpu.memref_slice %arg10[%add3A_47, %dma_wait3A_150] : memref<10000x128xf32, #tpu.memory_space<vmem_shared>> -> memref<25x128xf32, #tpu.memory_space<vmem_shared>>
      %dma_wait3A_152 = arith.constant 0 : i32
      %dma_wait3A_153 = tpu.memref_slice %arg10[%add3A_47, %dma_wait3A_152] : memref<10000x128xf32, #tpu.memory_space<vmem_shared>> -> memref<25x128xf32, #tpu.memory_space<vmem_shared>>
      tpu.wait_dma2 semaphore(%run_scoped3A_145 : memref<!tpu.dma_semaphore, #tpu.memory_space<semaphore_mem>>) src(%arg9 : memref<25x128xf32, #tpu.memory_space<vmem>>) dst(%dma_wait3A_153 : memref<25x128xf32, #tpu.memory_space<vmem_shared>>)
      tpu.yield
    }) : () -> ()
    %add3A_48 = arith.constant 200 : i32
    %add3A_49 = arith.addi %mul3A_31, %add3A_48 : i32
    "tpu.region"() ({
      %run_scoped3A_145 = tpu.sem_alloc : memref<!tpu.dma_semaphore, #tpu.memory_space<semaphore_mem>>
      %dma_start3A_146 = arith.constant 0 : i32
      %dma_start3A_147 = tpu.memref_slice %arg10[%add3A_49, %dma_start3A_146] : memref<10000x128xf32, #tpu.memory_space<vmem_shared>> -> memref<25x128xf32, #tpu.memory_space<vmem_shared>>
      %dma_start3A_148 = arith.constant 0 : i32
      %dma_start3A_149 = tpu.memref_slice %arg10[%add3A_49, %dma_start3A_148] : memref<10000x128xf32, #tpu.memory_space<vmem_shared>> -> memref<25x128xf32, #tpu.memory_space<vmem_shared>>
      tpu.enqueue_dma source(%arg9 : memref<25x128xf32, #tpu.memory_space<vmem>>) target(%dma_start3A_149 : memref<25x128xf32, #tpu.memory_space<vmem_shared>>) target_semaphore(%run_scoped3A_145 : memref<!tpu.dma_semaphore, #tpu.memory_space<semaphore_mem>>)
      %dma_wait3A_150 = arith.constant 0 : i32
      %dma_wait3A_151 = tpu.memref_slice %arg10[%add3A_49, %dma_wait3A_150] : memref<10000x128xf32, #tpu.memory_space<vmem_shared>> -> memref<25x128xf32, #tpu.memory_space<vmem_shared>>
      %dma_wait3A_152 = arith.constant 0 : i32
      %dma_wait3A_153 = tpu.memref_slice %arg10[%add3A_49, %dma_wait3A_152] : memref<10000x128xf32, #tpu.memory_space<vmem_shared>> -> memref<25x128xf32, #tpu.memory_space<vmem_shared>>
      tpu.wait_dma2 semaphore(%run_scoped3A_145 : memref<!tpu.dma_semaphore, #tpu.memory_space<semaphore_mem>>) src(%arg9 : memref<25x128xf32, #tpu.memory_space<vmem>>) dst(%dma_wait3A_153 : memref<25x128xf32, #tpu.memory_space<vmem_shared>>)
      tpu.yield
    }) : () -> ()
    %add3A_50 = arith.constant 225 : i32
    %add3A_51 = arith.addi %mul3A_31, %add3A_50 : i32
    "tpu.region"() ({
      %run_scoped3A_145 = tpu.sem_alloc : memref<!tpu.dma_semaphore, #tpu.memory_space<semaphore_mem>>
      %dma_start3A_146 = arith.constant 0 : i32
      %dma_start3A_147 = tpu.memref_slice %arg10[%add3A_51, %dma_start3A_146] : memref<10000x128xf32, #tpu.memory_space<vmem_shared>> -> memref<25x128xf32, #tpu.memory_space<vmem_shared>>
      %dma_start3A_148 = arith.constant 0 : i32
      %dma_start3A_149 = tpu.memref_slice %arg10[%add3A_51, %dma_start3A_148] : memref<10000x128xf32, #tpu.memory_space<vmem_shared>> -> memref<25x128xf32, #tpu.memory_space<vmem_shared>>
      tpu.enqueue_dma source(%arg9 : memref<25x128xf32, #tpu.memory_space<vmem>>) target(%dma_start3A_149 : memref<25x128xf32, #tpu.memory_space<vmem_shared>>) target_semaphore(%run_scoped3A_145 : memref<!tpu.dma_semaphore, #tpu.memory_space<semaphore_mem>>)
      %dma_wait3A_150 = arith.constant 0 : i32
      %dma_wait3A_151 = tpu.memref_slice %arg10[%add3A_51, %dma_wait3A_150] : memref<10000x128xf32, #tpu.memory_space<vmem_shared>> -> memref<25x128xf32, #tpu.memory_space<vmem_shared>>
      %dma_wait3A_152 = arith.constant 0 : i32
      %dma_wait3A_153 = tpu.memref_slice %arg10[%add3A_51, %dma_wait3A_152] : memref<10000x128xf32, #tpu.memory_space<vmem_shared>> -> memref<25x128xf32, #tpu.memory_space<vmem_shared>>
      tpu.wait_dma2 semaphore(%run_scoped3A_145 : memref<!tpu.dma_semaphore, #tpu.memory_space<semaphore_mem>>) src(%arg9 : memref<25x128xf32, #tpu.memory_space<vmem>>) dst(%dma_wait3A_153 : memref<25x128xf32, #tpu.memory_space<vmem_shared>>)
      tpu.yield
    }) : () -> ()
    %add3A_52 = arith.constant 250 : i32
    %add3A_53 = arith.addi %mul3A_31, %add3A_52 : i32
    "tpu.region"() ({
      %run_scoped3A_145 = tpu.sem_alloc : memref<!tpu.dma_semaphore, #tpu.memory_space<semaphore_mem>>
      %dma_start3A_146 = arith.constant 0 : i32
      %dma_start3A_147 = tpu.memref_slice %arg10[%add3A_53, %dma_start3A_146] : memref<10000x128xf32, #tpu.memory_space<vmem_shared>> -> memref<25x128xf32, #tpu.memory_space<vmem_shared>>
      %dma_start3A_148 = arith.constant 0 : i32
      %dma_start3A_149 = tpu.memref_slice %arg10[%add3A_53, %dma_start3A_148] : memref<10000x128xf32, #tpu.memory_space<vmem_shared>> -> memref<25x128xf32, #tpu.memory_space<vmem_shared>>
      tpu.enqueue_dma source(%arg9 : memref<25x128xf32, #tpu.memory_space<vmem>>) target(%dma_start3A_149 : memref<25x128xf32, #tpu.memory_space<vmem_shared>>) target_semaphore(%run_scoped3A_145 : memref<!tpu.dma_semaphore, #tpu.memory_space<semaphore_mem>>)
      %dma_wait3A_150 = arith.constant 0 : i32
      %dma_wait3A_151 = tpu.memref_slice %arg10[%add3A_53, %dma_wait3A_150] : memref<10000x128xf32, #tpu.memory_space<vmem_shared>> -> memref<25x128xf32, #tpu.memory_space<vmem_shared>>
      %dma_wait3A_152 = arith.constant 0 : i32
      %dma_wait3A_153 = tpu.memref_slice %arg10[%add3A_53, %dma_wait3A_152] : memref<10000x128xf32, #tpu.memory_space<vmem_shared>> -> memref<25x128xf32, #tpu.memory_space<vmem_shared>>
      tpu.wait_dma2 semaphore(%run_scoped3A_145 : memref<!tpu.dma_semaphore, #tpu.memory_space<semaphore_mem>>) src(%arg9 : memref<25x128xf32, #tpu.memory_space<vmem>>) dst(%dma_wait3A_153 : memref<25x128xf32, #tpu.memory_space<vmem_shared>>)
      tpu.yield
    }) : () -> ()
    %add3A_54 = arith.constant 275 : i32
    %add3A_55 = arith.addi %mul3A_31, %add3A_54 : i32
    "tpu.region"() ({
      %run_scoped3A_145 = tpu.sem_alloc : memref<!tpu.dma_semaphore, #tpu.memory_space<semaphore_mem>>
      %dma_start3A_146 = arith.constant 0 : i32
      %dma_start3A_147 = tpu.memref_slice %arg10[%add3A_55, %dma_start3A_146] : memref<10000x128xf32, #tpu.memory_space<vmem_shared>> -> memref<25x128xf32, #tpu.memory_space<vmem_shared>>
      %dma_start3A_148 = arith.constant 0 : i32
      %dma_start3A_149 = tpu.memref_slice %arg10[%add3A_55, %dma_start3A_148] : memref<10000x128xf32, #tpu.memory_space<vmem_shared>> -> memref<25x128xf32, #tpu.memory_space<vmem_shared>>
      tpu.enqueue_dma source(%arg9 : memref<25x128xf32, #tpu.memory_space<vmem>>) target(%dma_start3A_149 : memref<25x128xf32, #tpu.memory_space<vmem_shared>>) target_semaphore(%run_scoped3A_145 : memref<!tpu.dma_semaphore, #tpu.memory_space<semaphore_mem>>)
      %dma_wait3A_150 = arith.constant 0 : i32
      %dma_wait3A_151 = tpu.memref_slice %arg10[%add3A_55, %dma_wait3A_150] : memref<10000x128xf32, #tpu.memory_space<vmem_shared>> -> memref<25x128xf32, #tpu.memory_space<vmem_shared>>
      %dma_wait3A_152 = arith.constant 0 : i32
      %dma_wait3A_153 = tpu.memref_slice %arg10[%add3A_55, %dma_wait3A_152] : memref<10000x128xf32, #tpu.memory_space<vmem_shared>> -> memref<25x128xf32, #tpu.memory_space<vmem_shared>>
      tpu.wait_dma2 semaphore(%run_scoped3A_145 : memref<!tpu.dma_semaphore, #tpu.memory_space<semaphore_mem>>) src(%arg9 : memref<25x128xf32, #tpu.memory_space<vmem>>) dst(%dma_wait3A_153 : memref<25x128xf32, #tpu.memory_space<vmem_shared>>)
      tpu.yield
    }) : () -> ()
    %add3A_56 = arith.constant 300 : i32
    %add3A_57 = arith.addi %mul3A_31, %add3A_56 : i32
    "tpu.region"() ({
      %run_scoped3A_145 = tpu.sem_alloc : memref<!tpu.dma_semaphore, #tpu.memory_space<semaphore_mem>>
      %dma_start3A_146 = arith.constant 0 : i32
      %dma_start3A_147 = tpu.memref_slice %arg10[%add3A_57, %dma_start3A_146] : memref<10000x128xf32, #tpu.memory_space<vmem_shared>> -> memref<25x128xf32, #tpu.memory_space<vmem_shared>>
      %dma_start3A_148 = arith.constant 0 : i32
      %dma_start3A_149 = tpu.memref_slice %arg10[%add3A_57, %dma_start3A_148] : memref<10000x128xf32, #tpu.memory_space<vmem_shared>> -> memref<25x128xf32, #tpu.memory_space<vmem_shared>>
      tpu.enqueue_dma source(%arg9 : memref<25x128xf32, #tpu.memory_space<vmem>>) target(%dma_start3A_149 : memref<25x128xf32, #tpu.memory_space<vmem_shared>>) target_semaphore(%run_scoped3A_145 : memref<!tpu.dma_semaphore, #tpu.memory_space<semaphore_mem>>)
      %dma_wait3A_150 = arith.constant 0 : i32
      %dma_wait3A_151 = tpu.memref_slice %arg10[%add3A_57, %dma_wait3A_150] : memref<10000x128xf32, #tpu.memory_space<vmem_shared>> -> memref<25x128xf32, #tpu.memory_space<vmem_shared>>
      %dma_wait3A_152 = arith.constant 0 : i32
      %dma_wait3A_153 = tpu.memref_slice %arg10[%add3A_57, %dma_wait3A_152] : memref<10000x128xf32, #tpu.memory_space<vmem_shared>> -> memref<25x128xf32, #tpu.memory_space<vmem_shared>>
      tpu.wait_dma2 semaphore(%run_scoped3A_145 : memref<!tpu.dma_semaphore, #tpu.memory_space<semaphore_mem>>) src(%arg9 : memref<25x128xf32, #tpu.memory_space<vmem>>) dst(%dma_wait3A_153 : memref<25x128xf32, #tpu.memory_space<vmem_shared>>)
      tpu.yield
    }) : () -> ()
    %add3A_58 = arith.constant 325 : i32
    %add3A_59 = arith.addi %mul3A_31, %add3A_58 : i32
    "tpu.region"() ({
      %run_scoped3A_145 = tpu.sem_alloc : memref<!tpu.dma_semaphore, #tpu.memory_space<semaphore_mem>>
      %dma_start3A_146 = arith.constant 0 : i32
      %dma_start3A_147 = tpu.memref_slice %arg10[%add3A_59, %dma_start3A_146] : memref<10000x128xf32, #tpu.memory_space<vmem_shared>> -> memref<25x128xf32, #tpu.memory_space<vmem_shared>>
      %dma_start3A_148 = arith.constant 0 : i32
      %dma_start3A_149 = tpu.memref_slice %arg10[%add3A_59, %dma_start3A_148] : memref<10000x128xf32, #tpu.memory_space<vmem_shared>> -> memref<25x128xf32, #tpu.memory_space<vmem_shared>>
      tpu.enqueue_dma source(%arg9 : memref<25x128xf32, #tpu.memory_space<vmem>>) target(%dma_start3A_149 : memref<25x128xf32, #tpu.memory_space<vmem_shared>>) target_semaphore(%run_scoped3A_145 : memref<!tpu.dma_semaphore, #tpu.memory_space<semaphore_mem>>)
      %dma_wait3A_150 = arith.constant 0 : i32
      %dma_wait3A_151 = tpu.memref_slice %arg10[%add3A_59, %dma_wait3A_150] : memref<10000x128xf32, #tpu.memory_space<vmem_shared>> -> memref<25x128xf32, #tpu.memory_space<vmem_shared>>
      %dma_wait3A_152 = arith.constant 0 : i32
      %dma_wait3A_153 = tpu.memref_slice %arg10[%add3A_59, %dma_wait3A_152] : memref<10000x128xf32, #tpu.memory_space<vmem_shared>> -> memref<25x128xf32, #tpu.memory_space<vmem_shared>>
      tpu.wait_dma2 semaphore(%run_scoped3A_145 : memref<!tpu.dma_semaphore, #tpu.memory_space<semaphore_mem>>) src(%arg9 : memref<25x128xf32, #tpu.memory_space<vmem>>) dst(%dma_wait3A_153 : memref<25x128xf32, #tpu.memory_space<vmem_shared>>)
      tpu.yield
    }) : () -> ()
    %add3A_60 = arith.constant 350 : i32
    %add3A_61 = arith.addi %mul3A_31, %add3A_60 : i32
    "tpu.region"() ({
      %run_scoped3A_145 = tpu.sem_alloc : memref<!tpu.dma_semaphore, #tpu.memory_space<semaphore_mem>>
      %dma_start3A_146 = arith.constant 0 : i32
      %dma_start3A_147 = tpu.memref_slice %arg10[%add3A_61, %dma_start3A_146] : memref<10000x128xf32, #tpu.memory_space<vmem_shared>> -> memref<25x128xf32, #tpu.memory_space<vmem_shared>>
      %dma_start3A_148 = arith.constant 0 : i32
      %dma_start3A_149 = tpu.memref_slice %arg10[%add3A_61, %dma_start3A_148] : memref<10000x128xf32, #tpu.memory_space<vmem_shared>> -> memref<25x128xf32, #tpu.memory_space<vmem_shared>>
      tpu.enqueue_dma source(%arg9 : memref<25x128xf32, #tpu.memory_space<vmem>>) target(%dma_start3A_149 : memref<25x128xf32, #tpu.memory_space<vmem_shared>>) target_semaphore(%run_scoped3A_145 : memref<!tpu.dma_semaphore, #tpu.memory_space<semaphore_mem>>)
      %dma_wait3A_150 = arith.constant 0 : i32
      %dma_wait3A_151 = tpu.memref_slice %arg10[%add3A_61, %dma_wait3A_150] : memref<10000x128xf32, #tpu.memory_space<vmem_shared>> -> memref<25x128xf32, #tpu.memory_space<vmem_shared>>
      %dma_wait3A_152 = arith.constant 0 : i32
      %dma_wait3A_153 = tpu.memref_slice %arg10[%add3A_61, %dma_wait3A_152] : memref<10000x128xf32, #tpu.memory_space<vmem_shared>> -> memref<25x128xf32, #tpu.memory_space<vmem_shared>>
      tpu.wait_dma2 semaphore(%run_scoped3A_145 : memref<!tpu.dma_semaphore, #tpu.memory_space<semaphore_mem>>) src(%arg9 : memref<25x128xf32, #tpu.memory_space<vmem>>) dst(%dma_wait3A_153 : memref<25x128xf32, #tpu.memory_space<vmem_shared>>)
      tpu.yield
    }) : () -> ()
    %add3A_62 = arith.constant 375 : i32
    %add3A_63 = arith.addi %mul3A_31, %add3A_62 : i32
    "tpu.region"() ({
      %run_scoped3A_145 = tpu.sem_alloc : memref<!tpu.dma_semaphore, #tpu.memory_space<semaphore_mem>>
      %dma_start3A_146 = arith.constant 0 : i32
      %dma_start3A_147 = tpu.memref_slice %arg10[%add3A_63, %dma_start3A_146] : memref<10000x128xf32, #tpu.memory_space<vmem_shared>> -> memref<25x128xf32, #tpu.memory_space<vmem_shared>>
      %dma_start3A_148 = arith.constant 0 : i32
      %dma_start3A_149 = tpu.memref_slice %arg10[%add3A_63, %dma_start3A_148] : memref<10000x128xf32, #tpu.memory_space<vmem_shared>> -> memref<25x128xf32, #tpu.memory_space<vmem_shared>>
      tpu.enqueue_dma source(%arg9 : memref<25x128xf32, #tpu.memory_space<vmem>>) target(%dma_start3A_149 : memref<25x128xf32, #tpu.memory_space<vmem_shared>>) target_semaphore(%run_scoped3A_145 : memref<!tpu.dma_semaphore, #tpu.memory_space<semaphore_mem>>)
      %dma_wait3A_150 = arith.constant 0 : i32
      %dma_wait3A_151 = tpu.memref_slice %arg10[%add3A_63, %dma_wait3A_150] : memref<10000x128xf32, #tpu.memory_space<vmem_shared>> -> memref<25x128xf32, #tpu.memory_space<vmem_shared>>
      %dma_wait3A_152 = arith.constant 0 : i32
      %dma_wait3A_153 = tpu.memref_slice %arg10[%add3A_63, %dma_wait3A_152] : memref<10000x128xf32, #tpu.memory_space<vmem_shared>> -> memref<25x128xf32, #tpu.memory_space<vmem_shared>>
      tpu.wait_dma2 semaphore(%run_scoped3A_145 : memref<!tpu.dma_semaphore, #tpu.memory_space<semaphore_mem>>) src(%arg9 : memref<25x128xf32, #tpu.memory_space<vmem>>) dst(%dma_wait3A_153 : memref<25x128xf32, #tpu.memory_space<vmem_shared>>)
      tpu.yield
    }) : () -> ()
    %add3A_64 = arith.constant 400 : i32
    %add3A_65 = arith.addi %mul3A_31, %add3A_64 : i32
    "tpu.region"() ({
      %run_scoped3A_145 = tpu.sem_alloc : memref<!tpu.dma_semaphore, #tpu.memory_space<semaphore_mem>>
      %dma_start3A_146 = arith.constant 0 : i32
      %dma_start3A_147 = tpu.memref_slice %arg10[%add3A_65, %dma_start3A_146] : memref<10000x128xf32, #tpu.memory_space<vmem_shared>> -> memref<25x128xf32, #tpu.memory_space<vmem_shared>>
      %dma_start3A_148 = arith.constant 0 : i32
      %dma_start3A_149 = tpu.memref_slice %arg10[%add3A_65, %dma_start3A_148] : memref<10000x128xf32, #tpu.memory_space<vmem_shared>> -> memref<25x128xf32, #tpu.memory_space<vmem_shared>>
      tpu.enqueue_dma source(%arg9 : memref<25x128xf32, #tpu.memory_space<vmem>>) target(%dma_start3A_149 : memref<25x128xf32, #tpu.memory_space<vmem_shared>>) target_semaphore(%run_scoped3A_145 : memref<!tpu.dma_semaphore, #tpu.memory_space<semaphore_mem>>)
      %dma_wait3A_150 = arith.constant 0 : i32
      %dma_wait3A_151 = tpu.memref_slice %arg10[%add3A_65, %dma_wait3A_150] : memref<10000x128xf32, #tpu.memory_space<vmem_shared>> -> memref<25x128xf32, #tpu.memory_space<vmem_shared>>
      %dma_wait3A_152 = arith.constant 0 : i32
      %dma_wait3A_153 = tpu.memref_slice %arg10[%add3A_65, %dma_wait3A_152] : memref<10000x128xf32, #tpu.memory_space<vmem_shared>> -> memref<25x128xf32, #tpu.memory_space<vmem_shared>>
      tpu.wait_dma2 semaphore(%run_scoped3A_145 : memref<!tpu.dma_semaphore, #tpu.memory_space<semaphore_mem>>) src(%arg9 : memref<25x128xf32, #tpu.memory_space<vmem>>) dst(%dma_wait3A_153 : memref<25x128xf32, #tpu.memory_space<vmem_shared>>)
      tpu.yield
    }) : () -> ()
    %add3A_66 = arith.constant 425 : i32
    %add3A_67 = arith.addi %mul3A_31, %add3A_66 : i32
    "tpu.region"() ({
      %run_scoped3A_145 = tpu.sem_alloc : memref<!tpu.dma_semaphore, #tpu.memory_space<semaphore_mem>>
      %dma_start3A_146 = arith.constant 0 : i32
      %dma_start3A_147 = tpu.memref_slice %arg10[%add3A_67, %dma_start3A_146] : memref<10000x128xf32, #tpu.memory_space<vmem_shared>> -> memref<25x128xf32, #tpu.memory_space<vmem_shared>>
      %dma_start3A_148 = arith.constant 0 : i32
      %dma_start3A_149 = tpu.memref_slice %arg10[%add3A_67, %dma_start3A_148] : memref<10000x128xf32, #tpu.memory_space<vmem_shared>> -> memref<25x128xf32, #tpu.memory_space<vmem_shared>>
      tpu.enqueue_dma source(%arg9 : memref<25x128xf32, #tpu.memory_space<vmem>>) target(%dma_start3A_149 : memref<25x128xf32, #tpu.memory_space<vmem_shared>>) target_semaphore(%run_scoped3A_145 : memref<!tpu.dma_semaphore, #tpu.memory_space<semaphore_mem>>)
      %dma_wait3A_150 = arith.constant 0 : i32
      %dma_wait3A_151 = tpu.memref_slice %arg10[%add3A_67, %dma_wait3A_150] : memref<10000x128xf32, #tpu.memory_space<vmem_shared>> -> memref<25x128xf32, #tpu.memory_space<vmem_shared>>
      %dma_wait3A_152 = arith.constant 0 : i32
      %dma_wait3A_153 = tpu.memref_slice %arg10[%add3A_67, %dma_wait3A_152] : memref<10000x128xf32, #tpu.memory_space<vmem_shared>> -> memref<25x128xf32, #tpu.memory_space<vmem_shared>>
      tpu.wait_dma2 semaphore(%run_scoped3A_145 : memref<!tpu.dma_semaphore, #tpu.memory_space<semaphore_mem>>) src(%arg9 : memref<25x128xf32, #tpu.memory_space<vmem>>) dst(%dma_wait3A_153 : memref<25x128xf32, #tpu.memory_space<vmem_shared>>)
      tpu.yield
    }) : () -> ()
    %add3A_68 = arith.constant 450 : i32
    %add3A_69 = arith.addi %mul3A_31, %add3A_68 : i32
    "tpu.region"() ({
      %run_scoped3A_145 = tpu.sem_alloc : memref<!tpu.dma_semaphore, #tpu.memory_space<semaphore_mem>>
      %dma_start3A_146 = arith.constant 0 : i32
      %dma_start3A_147 = tpu.memref_slice %arg10[%add3A_69, %dma_start3A_146] : memref<10000x128xf32, #tpu.memory_space<vmem_shared>> -> memref<25x128xf32, #tpu.memory_space<vmem_shared>>
      %dma_start3A_148 = arith.constant 0 : i32
      %dma_start3A_149 = tpu.memref_slice %arg10[%add3A_69, %dma_start3A_148] : memref<10000x128xf32, #tpu.memory_space<vmem_shared>> -> memref<25x128xf32, #tpu.memory_space<vmem_shared>>
      tpu.enqueue_dma source(%arg9 : memref<25x128xf32, #tpu.memory_space<vmem>>) target(%dma_start3A_149 : memref<25x128xf32, #tpu.memory_space<vmem_shared>>) target_semaphore(%run_scoped3A_145 : memref<!tpu.dma_semaphore, #tpu.memory_space<semaphore_mem>>)
      %dma_wait3A_150 = arith.constant 0 : i32
      %dma_wait3A_151 = tpu.memref_slice %arg10[%add3A_69, %dma_wait3A_150] : memref<10000x128xf32, #tpu.memory_space<vmem_shared>> -> memref<25x128xf32, #tpu.memory_space<vmem_shared>>
      %dma_wait3A_152 = arith.constant 0 : i32
      %dma_wait3A_153 = tpu.memref_slice %arg10[%add3A_69, %dma_wait3A_152] : memref<10000x128xf32, #tpu.memory_space<vmem_shared>> -> memref<25x128xf32, #tpu.memory_space<vmem_shared>>
      tpu.wait_dma2 semaphore(%run_scoped3A_145 : memref<!tpu.dma_semaphore, #tpu.memory_space<semaphore_mem>>) src(%arg9 : memref<25x128xf32, #tpu.memory_space<vmem>>) dst(%dma_wait3A_153 : memref<25x128xf32, #tpu.memory_space<vmem_shared>>)
      tpu.yield
    }) : () -> ()
    %add3A_70 = arith.constant 475 : i32
    %add3A_71 = arith.addi %mul3A_31, %add3A_70 : i32
    "tpu.region"() ({
      %run_scoped3A_145 = tpu.sem_alloc : memref<!tpu.dma_semaphore, #tpu.memory_space<semaphore_mem>>
      %dma_start3A_146 = arith.constant 0 : i32
      %dma_start3A_147 = tpu.memref_slice %arg10[%add3A_71, %dma_start3A_146] : memref<10000x128xf32, #tpu.memory_space<vmem_shared>> -> memref<25x128xf32, #tpu.memory_space<vmem_shared>>
      %dma_start3A_148 = arith.constant 0 : i32
      %dma_start3A_149 = tpu.memref_slice %arg10[%add3A_71, %dma_start3A_148] : memref<10000x128xf32, #tpu.memory_space<vmem_shared>> -> memref<25x128xf32, #tpu.memory_space<vmem_shared>>
      tpu.enqueue_dma source(%arg9 : memref<25x128xf32, #tpu.memory_space<vmem>>) target(%dma_start3A_149 : memref<25x128xf32, #tpu.memory_space<vmem_shared>>) target_semaphore(%run_scoped3A_145 : memref<!tpu.dma_semaphore, #tpu.memory_space<semaphore_mem>>)
      %dma_wait3A_150 = arith.constant 0 : i32
      %dma_wait3A_151 = tpu.memref_slice %arg10[%add3A_71, %dma_wait3A_150] : memref<10000x128xf32, #tpu.memory_space<vmem_shared>> -> memref<25x128xf32, #tpu.memory_space<vmem_shared>>
      %dma_wait3A_152 = arith.constant 0 : i32
      %dma_wait3A_153 = tpu.memref_slice %arg10[%add3A_71, %dma_wait3A_152] : memref<10000x128xf32, #tpu.memory_space<vmem_shared>> -> memref<25x128xf32, #tpu.memory_space<vmem_shared>>
      tpu.wait_dma2 semaphore(%run_scoped3A_145 : memref<!tpu.dma_semaphore, #tpu.memory_space<semaphore_mem>>) src(%arg9 : memref<25x128xf32, #tpu.memory_space<vmem>>) dst(%dma_wait3A_153 : memref<25x128xf32, #tpu.memory_space<vmem_shared>>)
      tpu.yield
    }) : () -> ()
    %add3A_72 = arith.constant 500 : i32
    %add3A_73 = arith.addi %mul3A_31, %add3A_72 : i32
    "tpu.region"() ({
      %run_scoped3A_145 = tpu.sem_alloc : memref<!tpu.dma_semaphore, #tpu.memory_space<semaphore_mem>>
      %dma_start3A_146 = arith.constant 0 : i32
      %dma_start3A_147 = tpu.memref_slice %arg10[%add3A_73, %dma_start3A_146] : memref<10000x128xf32, #tpu.memory_space<vmem_shared>> -> memref<25x128xf32, #tpu.memory_space<vmem_shared>>
      %dma_start3A_148 = arith.constant 0 : i32
      %dma_start3A_149 = tpu.memref_slice %arg10[%add3A_73, %dma_start3A_148] : memref<10000x128xf32, #tpu.memory_space<vmem_shared>> -> memref<25x128xf32, #tpu.memory_space<vmem_shared>>
      tpu.enqueue_dma source(%arg9 : memref<25x128xf32, #tpu.memory_space<vmem>>) target(%dma_start3A_149 : memref<25x128xf32, #tpu.memory_space<vmem_shared>>) target_semaphore(%run_scoped3A_145 : memref<!tpu.dma_semaphore, #tpu.memory_space<semaphore_mem>>)
      %dma_wait3A_150 = arith.constant 0 : i32
      %dma_wait3A_151 = tpu.memref_slice %arg10[%add3A_73, %dma_wait3A_150] : memref<10000x128xf32, #tpu.memory_space<vmem_shared>> -> memref<25x128xf32, #tpu.memory_space<vmem_shared>>
      %dma_wait3A_152 = arith.constant 0 : i32
      %dma_wait3A_153 = tpu.memref_slice %arg10[%add3A_73, %dma_wait3A_152] : memref<10000x128xf32, #tpu.memory_space<vmem_shared>> -> memref<25x128xf32, #tpu.memory_space<vmem_shared>>
      tpu.wait_dma2 semaphore(%run_scoped3A_145 : memref<!tpu.dma_semaphore, #tpu.memory_space<semaphore_mem>>) src(%arg9 : memref<25x128xf32, #tpu.memory_space<vmem>>) dst(%dma_wait3A_153 : memref<25x128xf32, #tpu.memory_space<vmem_shared>>)
      tpu.yield
    }) : () -> ()
    %add3A_74 = arith.constant 525 : i32
    %add3A_75 = arith.addi %mul3A_31, %add3A_74 : i32
    "tpu.region"() ({
      %run_scoped3A_145 = tpu.sem_alloc : memref<!tpu.dma_semaphore, #tpu.memory_space<semaphore_mem>>
      %dma_start3A_146 = arith.constant 0 : i32
      %dma_start3A_147 = tpu.memref_slice %arg10[%add3A_75, %dma_start3A_146] : memref<10000x128xf32, #tpu.memory_space<vmem_shared>> -> memref<25x128xf32, #tpu.memory_space<vmem_shared>>
      %dma_start3A_148 = arith.constant 0 : i32
      %dma_start3A_149 = tpu.memref_slice %arg10[%add3A_75, %dma_start3A_148] : memref<10000x128xf32, #tpu.memory_space<vmem_shared>> -> memref<25x128xf32, #tpu.memory_space<vmem_shared>>
      tpu.enqueue_dma source(%arg9 : memref<25x128xf32, #tpu.memory_space<vmem>>) target(%dma_start3A_149 : memref<25x128xf32, #tpu.memory_space<vmem_shared>>) target_semaphore(%run_scoped3A_145 : memref<!tpu.dma_semaphore, #tpu.memory_space<semaphore_mem>>)
      %dma_wait3A_150 = arith.constant 0 : i32
      %dma_wait3A_151 = tpu.memref_slice %arg10[%add3A_75, %dma_wait3A_150] : memref<10000x128xf32, #tpu.memory_space<vmem_shared>> -> memref<25x128xf32, #tpu.memory_space<vmem_shared>>
      %dma_wait3A_152 = arith.constant 0 : i32
      %dma_wait3A_153 = tpu.memref_slice %arg10[%add3A_75, %dma_wait3A_152] : memref<10000x128xf32, #tpu.memory_space<vmem_shared>> -> memref<25x128xf32, #tpu.memory_space<vmem_shared>>
      tpu.wait_dma2 semaphore(%run_scoped3A_145 : memref<!tpu.dma_semaphore, #tpu.memory_space<semaphore_mem>>) src(%arg9 : memref<25x128xf32, #tpu.memory_space<vmem>>) dst(%dma_wait3A_153 : memref<25x128xf32, #tpu.memory_space<vmem_shared>>)
      tpu.yield
    }) : () -> ()
    %add3A_76 = arith.constant 550 : i32
    %add3A_77 = arith.addi %mul3A_31, %add3A_76 : i32
    "tpu.region"() ({
      %run_scoped3A_145 = tpu.sem_alloc : memref<!tpu.dma_semaphore, #tpu.memory_space<semaphore_mem>>
      %dma_start3A_146 = arith.constant 0 : i32
      %dma_start3A_147 = tpu.memref_slice %arg10[%add3A_77, %dma_start3A_146] : memref<10000x128xf32, #tpu.memory_space<vmem_shared>> -> memref<25x128xf32, #tpu.memory_space<vmem_shared>>
      %dma_start3A_148 = arith.constant 0 : i32
      %dma_start3A_149 = tpu.memref_slice %arg10[%add3A_77, %dma_start3A_148] : memref<10000x128xf32, #tpu.memory_space<vmem_shared>> -> memref<25x128xf32, #tpu.memory_space<vmem_shared>>
      tpu.enqueue_dma source(%arg9 : memref<25x128xf32, #tpu.memory_space<vmem>>) target(%dma_start3A_149 : memref<25x128xf32, #tpu.memory_space<vmem_shared>>) target_semaphore(%run_scoped3A_145 : memref<!tpu.dma_semaphore, #tpu.memory_space<semaphore_mem>>)
      %dma_wait3A_150 = arith.constant 0 : i32
      %dma_wait3A_151 = tpu.memref_slice %arg10[%add3A_77, %dma_wait3A_150] : memref<10000x128xf32, #tpu.memory_space<vmem_shared>> -> memref<25x128xf32, #tpu.memory_space<vmem_shared>>
      %dma_wait3A_152 = arith.constant 0 : i32
      %dma_wait3A_153 = tpu.memref_slice %arg10[%add3A_77, %dma_wait3A_152] : memref<10000x128xf32, #tpu.memory_space<vmem_shared>> -> memref<25x128xf32, #tpu.memory_space<vmem_shared>>
      tpu.wait_dma2 semaphore(%run_scoped3A_145 : memref<!tpu.dma_semaphore, #tpu.memory_space<semaphore_mem>>) src(%arg9 : memref<25x128xf32, #tpu.memory_space<vmem>>) dst(%dma_wait3A_153 : memref<25x128xf32, #tpu.memory_space<vmem_shared>>)
      tpu.yield
    }) : () -> ()
    %add3A_78 = arith.constant 575 : i32
    %add3A_79 = arith.addi %mul3A_31, %add3A_78 : i32
    "tpu.region"() ({
      %run_scoped3A_145 = tpu.sem_alloc : memref<!tpu.dma_semaphore, #tpu.memory_space<semaphore_mem>>
      %dma_start3A_146 = arith.constant 0 : i32
      %dma_start3A_147 = tpu.memref_slice %arg10[%add3A_79, %dma_start3A_146] : memref<10000x128xf32, #tpu.memory_space<vmem_shared>> -> memref<25x128xf32, #tpu.memory_space<vmem_shared>>
      %dma_start3A_148 = arith.constant 0 : i32
      %dma_start3A_149 = tpu.memref_slice %arg10[%add3A_79, %dma_start3A_148] : memref<10000x128xf32, #tpu.memory_space<vmem_shared>> -> memref<25x128xf32, #tpu.memory_space<vmem_shared>>
      tpu.enqueue_dma source(%arg9 : memref<25x128xf32, #tpu.memory_space<vmem>>) target(%dma_start3A_149 : memref<25x128xf32, #tpu.memory_space<vmem_shared>>) target_semaphore(%run_scoped3A_145 : memref<!tpu.dma_semaphore, #tpu.memory_space<semaphore_mem>>)
      %dma_wait3A_150 = arith.constant 0 : i32
      %dma_wait3A_151 = tpu.memref_slice %arg10[%add3A_79, %dma_wait3A_150] : memref<10000x128xf32, #tpu.memory_space<vmem_shared>> -> memref<25x128xf32, #tpu.memory_space<vmem_shared>>
      %dma_wait3A_152 = arith.constant 0 : i32
      %dma_wait3A_153 = tpu.memref_slice %arg10[%add3A_79, %dma_wait3A_152] : memref<10000x128xf32, #tpu.memory_space<vmem_shared>> -> memref<25x128xf32, #tpu.memory_space<vmem_shared>>
      tpu.wait_dma2 semaphore(%run_scoped3A_145 : memref<!tpu.dma_semaphore, #tpu.memory_space<semaphore_mem>>) src(%arg9 : memref<25x128xf32, #tpu.memory_space<vmem>>) dst(%dma_wait3A_153 : memref<25x128xf32, #tpu.memory_space<vmem_shared>>)
      tpu.yield
    }) : () -> ()
    %add3A_80 = arith.constant 600 : i32
    %add3A_81 = arith.addi %mul3A_31, %add3A_80 : i32
    "tpu.region"() ({
      %run_scoped3A_145 = tpu.sem_alloc : memref<!tpu.dma_semaphore, #tpu.memory_space<semaphore_mem>>
      %dma_start3A_146 = arith.constant 0 : i32
      %dma_start3A_147 = tpu.memref_slice %arg10[%add3A_81, %dma_start3A_146] : memref<10000x128xf32, #tpu.memory_space<vmem_shared>> -> memref<25x128xf32, #tpu.memory_space<vmem_shared>>
      %dma_start3A_148 = arith.constant 0 : i32
      %dma_start3A_149 = tpu.memref_slice %arg10[%add3A_81, %dma_start3A_148] : memref<10000x128xf32, #tpu.memory_space<vmem_shared>> -> memref<25x128xf32, #tpu.memory_space<vmem_shared>>
      tpu.enqueue_dma source(%arg9 : memref<25x128xf32, #tpu.memory_space<vmem>>) target(%dma_start3A_149 : memref<25x128xf32, #tpu.memory_space<vmem_shared>>) target_semaphore(%run_scoped3A_145 : memref<!tpu.dma_semaphore, #tpu.memory_space<semaphore_mem>>)
      %dma_wait3A_150 = arith.constant 0 : i32
      %dma_wait3A_151 = tpu.memref_slice %arg10[%add3A_81, %dma_wait3A_150] : memref<10000x128xf32, #tpu.memory_space<vmem_shared>> -> memref<25x128xf32, #tpu.memory_space<vmem_shared>>
      %dma_wait3A_152 = arith.constant 0 : i32
      %dma_wait3A_153 = tpu.memref_slice %arg10[%add3A_81, %dma_wait3A_152] : memref<10000x128xf32, #tpu.memory_space<vmem_shared>> -> memref<25x128xf32, #tpu.memory_space<vmem_shared>>
      tpu.wait_dma2 semaphore(%run_scoped3A_145 : memref<!tpu.dma_semaphore, #tpu.memory_space<semaphore_mem>>) src(%arg9 : memref<25x128xf32, #tpu.memory_space<vmem>>) dst(%dma_wait3A_153 : memref<25x128xf32, #tpu.memory_space<vmem_shared>>)
      tpu.yield
    }) : () -> ()
    %barrier3A = arith.constant 0 : index
    tpu.barrier barrier_id(%barrier3A)
    %scan3A_82 = arith.constant 0 : i32
    %scan3A_83 = arith.constant 0 : i32
    %scan3A_84 = arith.constant 61 : i32
    %scan3A_85 = arith.addi %scan3A_83, %scan3A_84 : i32
    %scan3A_86 = arith.constant 1 : i32
    scf.for %scan3A_145 = %scan3A_83 to %scan3A_85 step %scan3A_86  : i32 {
      %mul3A_146 = arith.constant 2 : i32
      %mul3A_147 = arith.muli %mul3A_146, %scan3A_145 : i32
      %mul3A_148 = arith.constant 80 : i32
      %mul3A_149 = arith.muli %mul3A_147, %mul3A_148 : i32
      %multiple_of3A_150 = tpu.assume_multiple %mul3A_149, 8 : i32
      %dma_wait3A_151 = arith.constant 0 : i32
      %dma_wait3A_152 = arith.constant 0 : i32
      %dma_wait3A_153 = arith.constant 0 : i32
      %dma_wait3A_154 = tpu.memref_slice %arg8[%dma_wait3A_151, %dma_wait3A_152, %dma_wait3A_153] : memref<2x80x128xf32, #tpu.memory_space<vmem>> -> memref<1x80x128xf32, #tpu.memory_space<vmem>>
      %dma_wait3A_155 = tpu.memref_squeeze %dma_wait3A_154 : memref<1x80x128xf32, #tpu.memory_space<vmem>> -> memref<80x128xf32, #tpu.memory_space<vmem>>
      %dma_wait3A_156 = tpu.memref_slice %arg6[%multiple_of3A_150] : memref<10000xi32, #tpu.memory_space<vmem>> -> memref<80xi32, #tpu.memory_space<vmem>>
      %dma_wait3A_157 = arith.constant 0 : i32
      %dma_wait3A_158 = arith.constant 0 : i32
      %dma_wait3A_159 = tpu.memref_slice %arg2[%dma_wait3A_157, %dma_wait3A_158] : memref<20000x128xf32, #tpu.memory_space<hbm>> -> memref<20000x128xf32, #tpu.memory_space<hbm>>
      tpu.wait_indirect_dma semaphore(%arg11 : memref<!tpu.dma_semaphore, #tpu.memory_space<semaphore_mem>>) src(%dma_wait3A_159 : memref<20000x128xf32, #tpu.memory_space<hbm>>) dst(%dma_wait3A_155 : memref<80x128xf32, #tpu.memory_space<vmem>>)
      %run_scoped3A_160 = arith.constant 0 : i32
      "tpu.region"() ({
        %run_scoped3A_210 = tpu.sem_alloc : memref<!tpu.dma_semaphore, #tpu.memory_space<semaphore_mem>>
        %dma_start3A_211 = arith.constant 0 : i32
        %dma_start3A_212 = arith.constant 0 : i32
        %dma_start3A_213 = tpu.memref_slice %arg8[%run_scoped3A_160, %dma_start3A_211, %dma_start3A_212] : memref<2x80x128xf32, #tpu.memory_space<vmem>> -> memref<1x80x128xf32, #tpu.memory_space<vmem>>
        %dma_start3A_214 = tpu.memref_squeeze %dma_start3A_213 : memref<1x80x128xf32, #tpu.memory_space<vmem>> -> memref<80x128xf32, #tpu.memory_space<vmem>>
        %dma_start3A_215 = arith.constant 0 : i32
        %dma_start3A_216 = tpu.memref_slice %arg7[%mul3A_147, %dma_start3A_215] : memref<125x80xi32, #tpu.memory_space<vmem>> -> memref<1x80xi32, #tpu.memory_space<vmem>>
        %dma_start3A_217 = tpu.memref_squeeze %dma_start3A_216 : memref<1x80xi32, #tpu.memory_space<vmem>> -> memref<80xi32, #tpu.memory_space<vmem>>
        %dma_start3A_218 = arith.constant 0 : i32
        %dma_start3A_219 = arith.constant 0 : i32
        %dma_start3A_220 = tpu.memref_slice %arg10[%dma_start3A_218, %dma_start3A_219] : memref<10000x128xf32, #tpu.memory_space<vmem_shared>> -> memref<10000x128xf32, #tpu.memory_space<vmem_shared>>
        tpu.enqueue_indirect_dma source(%dma_start3A_214 : memref<80x128xf32, #tpu.memory_space<vmem>>) target(%dma_start3A_220 : memref<10000x128xf32, #tpu.memory_space<vmem_shared>>) offsets(%dma_start3A_217 : memref<80xi32, #tpu.memory_space<vmem>>) semaphore(%run_scoped3A_210 : memref<!tpu.dma_semaphore, #tpu.memory_space<semaphore_mem>>) {add = true}
        %dma_wait3A_221 = arith.constant 0 : i32
        %dma_wait3A_222 = arith.constant 0 : i32
        %dma_wait3A_223 = tpu.memref_slice %arg8[%run_scoped3A_160, %dma_wait3A_221, %dma_wait3A_222] : memref<2x80x128xf32, #tpu.memory_space<vmem>> -> memref<1x80x128xf32, #tpu.memory_space<vmem>>
        %dma_wait3A_224 = tpu.memref_squeeze %dma_wait3A_223 : memref<1x80x128xf32, #tpu.memory_space<vmem>> -> memref<80x128xf32, #tpu.memory_space<vmem>>
        %dma_wait3A_225 = arith.constant 0 : i32
        %dma_wait3A_226 = tpu.memref_slice %arg7[%mul3A_147, %dma_wait3A_225] : memref<125x80xi32, #tpu.memory_space<vmem>> -> memref<1x80xi32, #tpu.memory_space<vmem>>
        %dma_wait3A_227 = tpu.memref_squeeze %dma_wait3A_226 : memref<1x80xi32, #tpu.memory_space<vmem>> -> memref<80xi32, #tpu.memory_space<vmem>>
        %dma_wait3A_228 = arith.constant 0 : i32
        %dma_wait3A_229 = arith.constant 0 : i32
        %dma_wait3A_230 = tpu.memref_slice %arg10[%dma_wait3A_228, %dma_wait3A_229] : memref<10000x128xf32, #tpu.memory_space<vmem_shared>> -> memref<10000x128xf32, #tpu.memory_space<vmem_shared>>
        tpu.wait_indirect_dma semaphore(%run_scoped3A_210 : memref<!tpu.dma_semaphore, #tpu.memory_space<semaphore_mem>>) src(%dma_wait3A_224 : memref<80x128xf32, #tpu.memory_space<vmem>>) dst(%dma_wait3A_230 : memref<10000x128xf32, #tpu.memory_space<vmem_shared>>)
        tpu.yield
      }) : () -> ()
      %mul3A_161 = arith.constant 2 : i32
      %mul3A_162 = arith.muli %mul3A_161, %scan3A_145 : i32
      %add3A_163 = arith.constant 2 : i32
      %add3A_164 = arith.addi %mul3A_162, %add3A_163 : i32
      %mul3A_165 = arith.constant 80 : i32
      %mul3A_166 = arith.muli %add3A_164, %mul3A_165 : i32
      %multiple_of3A_167 = tpu.assume_multiple %mul3A_166, 8 : i32
      %dma_start3A_168 = arith.constant 0 : i32
      %dma_start3A_169 = arith.constant 0 : i32
      %dma_start3A_170 = arith.constant 0 : i32
      %dma_start3A_171 = tpu.memref_slice %arg8[%dma_start3A_168, %dma_start3A_169, %dma_start3A_170] : memref<2x80x128xf32, #tpu.memory_space<vmem>> -> memref<1x80x128xf32, #tpu.memory_space<vmem>>
      %dma_start3A_172 = tpu.memref_squeeze %dma_start3A_171 : memref<1x80x128xf32, #tpu.memory_space<vmem>> -> memref<80x128xf32, #tpu.memory_space<vmem>>
      %dma_start3A_173 = tpu.memref_slice %arg6[%multiple_of3A_167] : memref<10000xi32, #tpu.memory_space<vmem>> -> memref<80xi32, #tpu.memory_space<vmem>>
      %dma_start3A_174 = arith.constant 0 : i32
      %dma_start3A_175 = arith.constant 0 : i32
      %dma_start3A_176 = tpu.memref_slice %arg2[%dma_start3A_174, %dma_start3A_175] : memref<20000x128xf32, #tpu.memory_space<hbm>> -> memref<20000x128xf32, #tpu.memory_space<hbm>>
      tpu.enqueue_indirect_dma source(%dma_start3A_176 : memref<20000x128xf32, #tpu.memory_space<hbm>>) target(%dma_start3A_172 : memref<80x128xf32, #tpu.memory_space<vmem>>) offsets(%dma_start3A_173 : memref<80xi32, #tpu.memory_space<vmem>>) semaphore(%arg11 : memref<!tpu.dma_semaphore, #tpu.memory_space<semaphore_mem>>)
      %mul3A_177 = arith.constant 2 : i32
      %mul3A_178 = arith.muli %mul3A_177, %scan3A_145 : i32
      %add3A_179 = arith.constant 1 : i32
      %add3A_180 = arith.addi %mul3A_178, %add3A_179 : i32
      %mul3A_181 = arith.constant 80 : i32
      %mul3A_182 = arith.muli %add3A_180, %mul3A_181 : i32
      %multiple_of3A_183 = tpu.assume_multiple %mul3A_182, 8 : i32
      %dma_wait3A_184 = arith.constant 1 : i32
      %dma_wait3A_185 = arith.constant 0 : i32
      %dma_wait3A_186 = arith.constant 0 : i32
      %dma_wait3A_187 = tpu.memref_slice %arg8[%dma_wait3A_184, %dma_wait3A_185, %dma_wait3A_186] : memref<2x80x128xf32, #tpu.memory_space<vmem>> -> memref<1x80x128xf32, #tpu.memory_space<vmem>>
      %dma_wait3A_188 = tpu.memref_squeeze %dma_wait3A_187 : memref<1x80x128xf32, #tpu.memory_space<vmem>> -> memref<80x128xf32, #tpu.memory_space<vmem>>
      %dma_wait3A_189 = tpu.memref_slice %arg6[%multiple_of3A_183] : memref<10000xi32, #tpu.memory_space<vmem>> -> memref<80xi32, #tpu.memory_space<vmem>>
      %dma_wait3A_190 = arith.constant 0 : i32
      %dma_wait3A_191 = arith.constant 0 : i32
      %dma_wait3A_192 = tpu.memref_slice %arg2[%dma_wait3A_190, %dma_wait3A_191] : memref<20000x128xf32, #tpu.memory_space<hbm>> -> memref<20000x128xf32, #tpu.memory_space<hbm>>
      tpu.wait_indirect_dma semaphore(%arg12 : memref<!tpu.dma_semaphore, #tpu.memory_space<semaphore_mem>>) src(%dma_wait3A_192 : memref<20000x128xf32, #tpu.memory_space<hbm>>) dst(%dma_wait3A_188 : memref<80x128xf32, #tpu.memory_space<vmem>>)
      %run_scoped3A_193 = arith.constant 1 : i32
      "tpu.region"() ({
        %run_scoped3A_210 = tpu.sem_alloc : memref<!tpu.dma_semaphore, #tpu.memory_space<semaphore_mem>>
        %dma_start3A_211 = arith.constant 0 : i32
        %dma_start3A_212 = arith.constant 0 : i32
        %dma_start3A_213 = tpu.memref_slice %arg8[%run_scoped3A_193, %dma_start3A_211, %dma_start3A_212] : memref<2x80x128xf32, #tpu.memory_space<vmem>> -> memref<1x80x128xf32, #tpu.memory_space<vmem>>
        %dma_start3A_214 = tpu.memref_squeeze %dma_start3A_213 : memref<1x80x128xf32, #tpu.memory_space<vmem>> -> memref<80x128xf32, #tpu.memory_space<vmem>>
        %dma_start3A_215 = arith.constant 0 : i32
        %dma_start3A_216 = tpu.memref_slice %arg7[%add3A_180, %dma_start3A_215] : memref<125x80xi32, #tpu.memory_space<vmem>> -> memref<1x80xi32, #tpu.memory_space<vmem>>
        %dma_start3A_217 = tpu.memref_squeeze %dma_start3A_216 : memref<1x80xi32, #tpu.memory_space<vmem>> -> memref<80xi32, #tpu.memory_space<vmem>>
        %dma_start3A_218 = arith.constant 0 : i32
        %dma_start3A_219 = arith.constant 0 : i32
        %dma_start3A_220 = tpu.memref_slice %arg10[%dma_start3A_218, %dma_start3A_219] : memref<10000x128xf32, #tpu.memory_space<vmem_shared>> -> memref<10000x128xf32, #tpu.memory_space<vmem_shared>>
        tpu.enqueue_indirect_dma source(%dma_start3A_214 : memref<80x128xf32, #tpu.memory_space<vmem>>) target(%dma_start3A_220 : memref<10000x128xf32, #tpu.memory_space<vmem_shared>>) offsets(%dma_start3A_217 : memref<80xi32, #tpu.memory_space<vmem>>) semaphore(%run_scoped3A_210 : memref<!tpu.dma_semaphore, #tpu.memory_space<semaphore_mem>>) {add = true}
        %dma_wait3A_221 = arith.constant 0 : i32
        %dma_wait3A_222 = arith.constant 0 : i32
        %dma_wait3A_223 = tpu.memref_slice %arg8[%run_scoped3A_193, %dma_wait3A_221, %dma_wait3A_222] : memref<2x80x128xf32, #tpu.memory_space<vmem>> -> memref<1x80x128xf32, #tpu.memory_space<vmem>>
        %dma_wait3A_224 = tpu.memref_squeeze %dma_wait3A_223 : memref<1x80x128xf32, #tpu.memory_space<vmem>> -> memref<80x128xf32, #tpu.memory_space<vmem>>
        %dma_wait3A_225 = arith.constant 0 : i32
        %dma_wait3A_226 = tpu.memref_slice %arg7[%add3A_180, %dma_wait3A_225] : memref<125x80xi32, #tpu.memory_space<vmem>> -> memref<1x80xi32, #tpu.memory_space<vmem>>
        %dma_wait3A_227 = tpu.memref_squeeze %dma_wait3A_226 : memref<1x80xi32, #tpu.memory_space<vmem>> -> memref<80xi32, #tpu.memory_space<vmem>>
        %dma_wait3A_228 = arith.constant 0 : i32
        %dma_wait3A_229 = arith.constant 0 : i32
        %dma_wait3A_230 = tpu.memref_slice %arg10[%dma_wait3A_228, %dma_wait3A_229] : memref<10000x128xf32, #tpu.memory_space<vmem_shared>> -> memref<10000x128xf32, #tpu.memory_space<vmem_shared>>
        tpu.wait_indirect_dma semaphore(%run_scoped3A_210 : memref<!tpu.dma_semaphore, #tpu.memory_space<semaphore_mem>>) src(%dma_wait3A_224 : memref<80x128xf32, #tpu.memory_space<vmem>>) dst(%dma_wait3A_230 : memref<10000x128xf32, #tpu.memory_space<vmem_shared>>)
        tpu.yield
      }) : () -> ()
      %mul3A_194 = arith.constant 2 : i32
      %mul3A_195 = arith.muli %mul3A_194, %scan3A_145 : i32
      %add3A_196 = arith.constant 3 : i32
      %add3A_197 = arith.addi %mul3A_195, %add3A_196 : i32
      %mul3A_198 = arith.constant 80 : i32
      %mul3A_199 = arith.muli %add3A_197, %mul3A_198 : i32
      %multiple_of3A_200 = tpu.assume_multiple %mul3A_199, 8 : i32
      %dma_start3A_201 = arith.constant 1 : i32
      %dma_start3A_202 = arith.constant 0 : i32
      %dma_start3A_203 = arith.constant 0 : i32
      %dma_start3A_204 = tpu.memref_slice %arg8[%dma_start3A_201, %dma_start3A_202, %dma_start3A_203] : memref<2x80x128xf32, #tpu.memory_space<vmem>> -> memref<1x80x128xf32, #tpu.memory_space<vmem>>
      %dma_start3A_205 = tpu.memref_squeeze %dma_start3A_204 : memref<1x80x128xf32, #tpu.memory_space<vmem>> -> memref<80x128xf32, #tpu.memory_space<vmem>>
      %dma_start3A_206 = tpu.memref_slice %arg6[%multiple_of3A_200] : memref<10000xi32, #tpu.memory_space<vmem>> -> memref<80xi32, #tpu.memory_space<vmem>>
      %dma_start3A_207 = arith.constant 0 : i32
      %dma_start3A_208 = arith.constant 0 : i32
      %dma_start3A_209 = tpu.memref_slice %arg2[%dma_start3A_207, %dma_start3A_208] : memref<20000x128xf32, #tpu.memory_space<hbm>> -> memref<20000x128xf32, #tpu.memory_space<hbm>>
      tpu.enqueue_indirect_dma source(%dma_start3A_209 : memref<20000x128xf32, #tpu.memory_space<hbm>>) target(%dma_start3A_205 : memref<80x128xf32, #tpu.memory_space<vmem>>) offsets(%dma_start3A_206 : memref<80xi32, #tpu.memory_space<vmem>>) semaphore(%arg12 : memref<!tpu.dma_semaphore, #tpu.memory_space<semaphore_mem>>)
    }
    %scan3A_87 = arith.constant 61 : i32
    %multiple_of3A_88 = arith.constant 9760 : i32
    %multiple_of3A_89 = tpu.assume_multiple %multiple_of3A_88, 8 : i32
    %dma_wait3A = arith.constant 0 : i32
    %dma_wait3A_90 = arith.constant 0 : i32
    %dma_wait3A_91 = arith.constant 0 : i32
    %dma_wait3A_92 = tpu.memref_slice %arg8[%dma_wait3A, %dma_wait3A_90, %dma_wait3A_91] : memref<2x80x128xf32, #tpu.memory_space<vmem>> -> memref<1x80x128xf32, #tpu.memory_space<vmem>>
    %dma_wait3A_93 = tpu.memref_squeeze %dma_wait3A_92 : memref<1x80x128xf32, #tpu.memory_space<vmem>> -> memref<80x128xf32, #tpu.memory_space<vmem>>
    %dma_wait3A_94 = tpu.memref_slice %arg6[%multiple_of3A_89] : memref<10000xi32, #tpu.memory_space<vmem>> -> memref<80xi32, #tpu.memory_space<vmem>>
    %dma_wait3A_95 = arith.constant 0 : i32
    %dma_wait3A_96 = arith.constant 0 : i32
    %dma_wait3A_97 = tpu.memref_slice %arg2[%dma_wait3A_95, %dma_wait3A_96] : memref<20000x128xf32, #tpu.memory_space<hbm>> -> memref<20000x128xf32, #tpu.memory_space<hbm>>
    tpu.wait_indirect_dma semaphore(%arg11 : memref<!tpu.dma_semaphore, #tpu.memory_space<semaphore_mem>>) src(%dma_wait3A_97 : memref<20000x128xf32, #tpu.memory_space<hbm>>) dst(%dma_wait3A_93 : memref<80x128xf32, #tpu.memory_space<vmem>>)
    %run_scoped3A = arith.constant 0 : i32
    %run_scoped3A_98 = arith.constant 122 : i32
    "tpu.region"() ({
      %run_scoped3A_145 = tpu.sem_alloc : memref<!tpu.dma_semaphore, #tpu.memory_space<semaphore_mem>>
      %dma_start3A_146 = arith.constant 0 : i32
      %dma_start3A_147 = arith.constant 0 : i32
      %dma_start3A_148 = tpu.memref_slice %arg8[%run_scoped3A, %dma_start3A_146, %dma_start3A_147] : memref<2x80x128xf32, #tpu.memory_space<vmem>> -> memref<1x80x128xf32, #tpu.memory_space<vmem>>
      %dma_start3A_149 = tpu.memref_squeeze %dma_start3A_148 : memref<1x80x128xf32, #tpu.memory_space<vmem>> -> memref<80x128xf32, #tpu.memory_space<vmem>>
      %dma_start3A_150 = arith.constant 0 : i32
      %dma_start3A_151 = tpu.memref_slice %arg7[%run_scoped3A_98, %dma_start3A_150] : memref<125x80xi32, #tpu.memory_space<vmem>> -> memref<1x80xi32, #tpu.memory_space<vmem>>
      %dma_start3A_152 = tpu.memref_squeeze %dma_start3A_151 : memref<1x80xi32, #tpu.memory_space<vmem>> -> memref<80xi32, #tpu.memory_space<vmem>>
      %dma_start3A_153 = arith.constant 0 : i32
      %dma_start3A_154 = arith.constant 0 : i32
      %dma_start3A_155 = tpu.memref_slice %arg10[%dma_start3A_153, %dma_start3A_154] : memref<10000x128xf32, #tpu.memory_space<vmem_shared>> -> memref<10000x128xf32, #tpu.memory_space<vmem_shared>>
      tpu.enqueue_indirect_dma source(%dma_start3A_149 : memref<80x128xf32, #tpu.memory_space<vmem>>) target(%dma_start3A_155 : memref<10000x128xf32, #tpu.memory_space<vmem_shared>>) offsets(%dma_start3A_152 : memref<80xi32, #tpu.memory_space<vmem>>) semaphore(%run_scoped3A_145 : memref<!tpu.dma_semaphore, #tpu.memory_space<semaphore_mem>>) {add = true}
      %dma_wait3A_156 = arith.constant 0 : i32
      %dma_wait3A_157 = arith.constant 0 : i32
      %dma_wait3A_158 = tpu.memref_slice %arg8[%run_scoped3A, %dma_wait3A_156, %dma_wait3A_157] : memref<2x80x128xf32, #tpu.memory_space<vmem>> -> memref<1x80x128xf32, #tpu.memory_space<vmem>>
      %dma_wait3A_159 = tpu.memref_squeeze %dma_wait3A_158 : memref<1x80x128xf32, #tpu.memory_space<vmem>> -> memref<80x128xf32, #tpu.memory_space<vmem>>
      %dma_wait3A_160 = arith.constant 0 : i32
      %dma_wait3A_161 = tpu.memref_slice %arg7[%run_scoped3A_98, %dma_wait3A_160] : memref<125x80xi32, #tpu.memory_space<vmem>> -> memref<1x80xi32, #tpu.memory_space<vmem>>
      %dma_wait3A_162 = tpu.memref_squeeze %dma_wait3A_161 : memref<1x80xi32, #tpu.memory_space<vmem>> -> memref<80xi32, #tpu.memory_space<vmem>>
      %dma_wait3A_163 = arith.constant 0 : i32
      %dma_wait3A_164 = arith.constant 0 : i32
      %dma_wait3A_165 = tpu.memref_slice %arg10[%dma_wait3A_163, %dma_wait3A_164] : memref<10000x128xf32, #tpu.memory_space<vmem_shared>> -> memref<10000x128xf32, #tpu.memory_space<vmem_shared>>
      tpu.wait_indirect_dma semaphore(%run_scoped3A_145 : memref<!tpu.dma_semaphore, #tpu.memory_space<semaphore_mem>>) src(%dma_wait3A_159 : memref<80x128xf32, #tpu.memory_space<vmem>>) dst(%dma_wait3A_165 : memref<10000x128xf32, #tpu.memory_space<vmem_shared>>)
      tpu.yield
    }) : () -> ()
    %multiple_of3A_99 = arith.constant 9920 : i32
    %multiple_of3A_100 = tpu.assume_multiple %multiple_of3A_99, 8 : i32
    %dma_start3A_101 = arith.constant 0 : i32
    %dma_start3A_102 = arith.constant 0 : i32
    %dma_start3A_103 = arith.constant 0 : i32
    %dma_start3A_104 = tpu.memref_slice %arg8[%dma_start3A_101, %dma_start3A_102, %dma_start3A_103] : memref<2x80x128xf32, #tpu.memory_space<vmem>> -> memref<1x80x128xf32, #tpu.memory_space<vmem>>
    %dma_start3A_105 = tpu.memref_squeeze %dma_start3A_104 : memref<1x80x128xf32, #tpu.memory_space<vmem>> -> memref<80x128xf32, #tpu.memory_space<vmem>>
    %dma_start3A_106 = tpu.memref_slice %arg6[%multiple_of3A_100] : memref<10000xi32, #tpu.memory_space<vmem>> -> memref<80xi32, #tpu.memory_space<vmem>>
    %dma_start3A_107 = arith.constant 0 : i32
    %dma_start3A_108 = arith.constant 0 : i32
    %dma_start3A_109 = tpu.memref_slice %arg2[%dma_start3A_107, %dma_start3A_108] : memref<20000x128xf32, #tpu.memory_space<hbm>> -> memref<20000x128xf32, #tpu.memory_space<hbm>>
    tpu.enqueue_indirect_dma source(%dma_start3A_109 : memref<20000x128xf32, #tpu.memory_space<hbm>>) target(%dma_start3A_105 : memref<80x128xf32, #tpu.memory_space<vmem>>) offsets(%dma_start3A_106 : memref<80xi32, #tpu.memory_space<vmem>>) semaphore(%arg11 : memref<!tpu.dma_semaphore, #tpu.memory_space<semaphore_mem>>)
    %multiple_of3A_110 = arith.constant 9840 : i32
    %multiple_of3A_111 = tpu.assume_multiple %multiple_of3A_110, 8 : i32
    %dma_wait3A_112 = arith.constant 1 : i32
    %dma_wait3A_113 = arith.constant 0 : i32
    %dma_wait3A_114 = arith.constant 0 : i32
    %dma_wait3A_115 = tpu.memref_slice %arg8[%dma_wait3A_112, %dma_wait3A_113, %dma_wait3A_114] : memref<2x80x128xf32, #tpu.memory_space<vmem>> -> memref<1x80x128xf32, #tpu.memory_space<vmem>>
    %dma_wait3A_116 = tpu.memref_squeeze %dma_wait3A_115 : memref<1x80x128xf32, #tpu.memory_space<vmem>> -> memref<80x128xf32, #tpu.memory_space<vmem>>
    %dma_wait3A_117 = tpu.memref_slice %arg6[%multiple_of3A_111] : memref<10000xi32, #tpu.memory_space<vmem>> -> memref<80xi32, #tpu.memory_space<vmem>>
    %dma_wait3A_118 = arith.constant 0 : i32
    %dma_wait3A_119 = arith.constant 0 : i32
    %dma_wait3A_120 = tpu.memref_slice %arg2[%dma_wait3A_118, %dma_wait3A_119] : memref<20000x128xf32, #tpu.memory_space<hbm>> -> memref<20000x128xf32, #tpu.memory_space<hbm>>
    tpu.wait_indirect_dma semaphore(%arg12 : memref<!tpu.dma_semaphore, #tpu.memory_space<semaphore_mem>>) src(%dma_wait3A_120 : memref<20000x128xf32, #tpu.memory_space<hbm>>) dst(%dma_wait3A_116 : memref<80x128xf32, #tpu.memory_space<vmem>>)
    %run_scoped3A_121 = arith.constant 1 : i32
    %run_scoped3A_122 = arith.constant 123 : i32
    "tpu.region"() ({
      %run_scoped3A_145 = tpu.sem_alloc : memref<!tpu.dma_semaphore, #tpu.memory_space<semaphore_mem>>
      %dma_start3A_146 = arith.constant 0 : i32
      %dma_start3A_147 = arith.constant 0 : i32
      %dma_start3A_148 = tpu.memref_slice %arg8[%run_scoped3A_121, %dma_start3A_146, %dma_start3A_147] : memref<2x80x128xf32, #tpu.memory_space<vmem>> -> memref<1x80x128xf32, #tpu.memory_space<vmem>>
      %dma_start3A_149 = tpu.memref_squeeze %dma_start3A_148 : memref<1x80x128xf32, #tpu.memory_space<vmem>> -> memref<80x128xf32, #tpu.memory_space<vmem>>
      %dma_start3A_150 = arith.constant 0 : i32
      %dma_start3A_151 = tpu.memref_slice %arg7[%run_scoped3A_122, %dma_start3A_150] : memref<125x80xi32, #tpu.memory_space<vmem>> -> memref<1x80xi32, #tpu.memory_space<vmem>>
      %dma_start3A_152 = tpu.memref_squeeze %dma_start3A_151 : memref<1x80xi32, #tpu.memory_space<vmem>> -> memref<80xi32, #tpu.memory_space<vmem>>
      %dma_start3A_153 = arith.constant 0 : i32
      %dma_start3A_154 = arith.constant 0 : i32
      %dma_start3A_155 = tpu.memref_slice %arg10[%dma_start3A_153, %dma_start3A_154] : memref<10000x128xf32, #tpu.memory_space<vmem_shared>> -> memref<10000x128xf32, #tpu.memory_space<vmem_shared>>
      tpu.enqueue_indirect_dma source(%dma_start3A_149 : memref<80x128xf32, #tpu.memory_space<vmem>>) target(%dma_start3A_155 : memref<10000x128xf32, #tpu.memory_space<vmem_shared>>) offsets(%dma_start3A_152 : memref<80xi32, #tpu.memory_space<vmem>>) semaphore(%run_scoped3A_145 : memref<!tpu.dma_semaphore, #tpu.memory_space<semaphore_mem>>) {add = true}
      %dma_wait3A_156 = arith.constant 0 : i32
      %dma_wait3A_157 = arith.constant 0 : i32
      %dma_wait3A_158 = tpu.memref_slice %arg8[%run_scoped3A_121, %dma_wait3A_156, %dma_wait3A_157] : memref<2x80x128xf32, #tpu.memory_space<vmem>> -> memref<1x80x128xf32, #tpu.memory_space<vmem>>
      %dma_wait3A_159 = tpu.memref_squeeze %dma_wait3A_158 : memref<1x80x128xf32, #tpu.memory_space<vmem>> -> memref<80x128xf32, #tpu.memory_space<vmem>>
      %dma_wait3A_160 = arith.constant 0 : i32
      %dma_wait3A_161 = tpu.memref_slice %arg7[%run_scoped3A_122, %dma_wait3A_160] : memref<125x80xi32, #tpu.memory_space<vmem>> -> memref<1x80xi32, #tpu.memory_space<vmem>>
      %dma_wait3A_162 = tpu.memref_squeeze %dma_wait3A_161 : memref<1x80xi32, #tpu.memory_space<vmem>> -> memref<80xi32, #tpu.memory_space<vmem>>
      %dma_wait3A_163 = arith.constant 0 : i32
      %dma_wait3A_164 = arith.constant 0 : i32
      %dma_wait3A_165 = tpu.memref_slice %arg10[%dma_wait3A_163, %dma_wait3A_164] : memref<10000x128xf32, #tpu.memory_space<vmem_shared>> -> memref<10000x128xf32, #tpu.memory_space<vmem_shared>>
      tpu.wait_indirect_dma semaphore(%run_scoped3A_145 : memref<!tpu.dma_semaphore, #tpu.memory_space<semaphore_mem>>) src(%dma_wait3A_159 : memref<80x128xf32, #tpu.memory_space<vmem>>) dst(%dma_wait3A_165 : memref<10000x128xf32, #tpu.memory_space<vmem_shared>>)
      tpu.yield
    }) : () -> ()
    %multiple_of3A_123 = arith.constant 9920 : i32
    %multiple_of3A_124 = tpu.assume_multiple %multiple_of3A_123, 8 : i32
    %dma_wait3A_125 = arith.constant 0 : i32
    %dma_wait3A_126 = arith.constant 0 : i32
    %dma_wait3A_127 = arith.constant 0 : i32
    %dma_wait3A_128 = tpu.memref_slice %arg8[%dma_wait3A_125, %dma_wait3A_126, %dma_wait3A_127] : memref<2x80x128xf32, #tpu.memory_space<vmem>> -> memref<1x80x128xf32, #tpu.memory_space<vmem>>
    %dma_wait3A_129 = tpu.memref_squeeze %dma_wait3A_128 : memref<1x80x128xf32, #tpu.memory_space<vmem>> -> memref<80x128xf32, #tpu.memory_space<vmem>>
    %dma_wait3A_130 = tpu.memref_slice %arg6[%multiple_of3A_124] : memref<10000xi32, #tpu.memory_space<vmem>> -> memref<80xi32, #tpu.memory_space<vmem>>
    %dma_wait3A_131 = arith.constant 0 : i32
    %dma_wait3A_132 = arith.constant 0 : i32
    %dma_wait3A_133 = tpu.memref_slice %arg2[%dma_wait3A_131, %dma_wait3A_132] : memref<20000x128xf32, #tpu.memory_space<hbm>> -> memref<20000x128xf32, #tpu.memory_space<hbm>>
    tpu.wait_indirect_dma semaphore(%arg11 : memref<!tpu.dma_semaphore, #tpu.memory_space<semaphore_mem>>) src(%dma_wait3A_133 : memref<20000x128xf32, #tpu.memory_space<hbm>>) dst(%dma_wait3A_129 : memref<80x128xf32, #tpu.memory_space<vmem>>)
    %run_scoped3A_134 = arith.constant 0 : i32
    %run_scoped3A_135 = arith.constant 124 : i32
    "tpu.region"() ({
      %run_scoped3A_145 = tpu.sem_alloc : memref<!tpu.dma_semaphore, #tpu.memory_space<semaphore_mem>>
      %dma_start3A_146 = arith.constant 0 : i32
      %dma_start3A_147 = arith.constant 0 : i32
      %dma_start3A_148 = tpu.memref_slice %arg8[%run_scoped3A_134, %dma_start3A_146, %dma_start3A_147] : memref<2x80x128xf32, #tpu.memory_space<vmem>> -> memref<1x80x128xf32, #tpu.memory_space<vmem>>
      %dma_start3A_149 = tpu.memref_squeeze %dma_start3A_148 : memref<1x80x128xf32, #tpu.memory_space<vmem>> -> memref<80x128xf32, #tpu.memory_space<vmem>>
      %dma_start3A_150 = arith.constant 0 : i32
      %dma_start3A_151 = tpu.memref_slice %arg7[%run_scoped3A_135, %dma_start3A_150] : memref<125x80xi32, #tpu.memory_space<vmem>> -> memref<1x80xi32, #tpu.memory_space<vmem>>
      %dma_start3A_152 = tpu.memref_squeeze %dma_start3A_151 : memref<1x80xi32, #tpu.memory_space<vmem>> -> memref<80xi32, #tpu.memory_space<vmem>>
      %dma_start3A_153 = arith.constant 0 : i32
      %dma_start3A_154 = arith.constant 0 : i32
      %dma_start3A_155 = tpu.memref_slice %arg10[%dma_start3A_153, %dma_start3A_154] : memref<10000x128xf32, #tpu.memory_space<vmem_shared>> -> memref<10000x128xf32, #tpu.memory_space<vmem_shared>>
      tpu.enqueue_indirect_dma source(%dma_start3A_149 : memref<80x128xf32, #tpu.memory_space<vmem>>) target(%dma_start3A_155 : memref<10000x128xf32, #tpu.memory_space<vmem_shared>>) offsets(%dma_start3A_152 : memref<80xi32, #tpu.memory_space<vmem>>) semaphore(%run_scoped3A_145 : memref<!tpu.dma_semaphore, #tpu.memory_space<semaphore_mem>>) {add = true}
      %dma_wait3A_156 = arith.constant 0 : i32
      %dma_wait3A_157 = arith.constant 0 : i32
      %dma_wait3A_158 = tpu.memref_slice %arg8[%run_scoped3A_134, %dma_wait3A_156, %dma_wait3A_157] : memref<2x80x128xf32, #tpu.memory_space<vmem>> -> memref<1x80x128xf32, #tpu.memory_space<vmem>>
      %dma_wait3A_159 = tpu.memref_squeeze %dma_wait3A_158 : memref<1x80x128xf32, #tpu.memory_space<vmem>> -> memref<80x128xf32, #tpu.memory_space<vmem>>
      %dma_wait3A_160 = arith.constant 0 : i32
      %dma_wait3A_161 = tpu.memref_slice %arg7[%run_scoped3A_135, %dma_wait3A_160] : memref<125x80xi32, #tpu.memory_space<vmem>> -> memref<1x80xi32, #tpu.memory_space<vmem>>
      %dma_wait3A_162 = tpu.memref_squeeze %dma_wait3A_161 : memref<1x80xi32, #tpu.memory_space<vmem>> -> memref<80xi32, #tpu.memory_space<vmem>>
      %dma_wait3A_163 = arith.constant 0 : i32
      %dma_wait3A_164 = arith.constant 0 : i32
      %dma_wait3A_165 = tpu.memref_slice %arg10[%dma_wait3A_163, %dma_wait3A_164] : memref<10000x128xf32, #tpu.memory_space<vmem_shared>> -> memref<10000x128xf32, #tpu.memory_space<vmem_shared>>
      tpu.wait_indirect_dma semaphore(%run_scoped3A_145 : memref<!tpu.dma_semaphore, #tpu.memory_space<semaphore_mem>>) src(%dma_wait3A_159 : memref<80x128xf32, #tpu.memory_space<vmem>>) dst(%dma_wait3A_165 : memref<10000x128xf32, #tpu.memory_space<vmem_shared>>)
      tpu.yield
    }) : () -> ()
    %barrier3A_136 = arith.constant 0 : index
    tpu.barrier barrier_id(%barrier3A_136)
    %mul3A_137 = arith.constant 128 : i32
    %mul3A_138 = arith.muli %arg0, %mul3A_137 : i32
    %multiple_of3A_139 = tpu.assume_multiple %mul3A_138, 128 : i32
    %mul3A_140 = arith.constant 624 : i32
    %mul3A_141 = arith.muli %arg1, %mul3A_140 : i32
    %multiple_of3A_142 = tpu.assume_multiple %mul3A_141, 8 : i32
    "tpu.region"() ({
      %run_scoped3A_145 = tpu.sem_alloc : memref<!tpu.dma_semaphore, #tpu.memory_space<semaphore_mem>>
      %dma_start3A_146 = tpu.memref_slice %arg5[%multiple_of3A_142, %multiple_of3A_139] : memref<10000x256xf32, #tpu.memory_space<hbm>> -> memref<624x128xf32, #tpu.memory_space<hbm>>
      %dma_start3A_147 = arith.constant 0 : i32
      %dma_start3A_148 = tpu.memref_slice %arg10[%multiple_of3A_142, %dma_start3A_147] : memref<10000x128xf32, #tpu.memory_space<vmem_shared>> -> memref<624x128xf32, #tpu.memory_space<vmem_shared>>
      tpu.enqueue_dma source(%dma_start3A_148 : memref<624x128xf32, #tpu.memory_space<vmem_shared>>) target(%dma_start3A_146 : memref<624x128xf32, #tpu.memory_space<hbm>>) target_semaphore(%run_scoped3A_145 : memref<!tpu.dma_semaphore, #tpu.memory_space<semaphore_mem>>)
      %dma_wait3A_149 = tpu.memref_slice %arg5[%multiple_of3A_142, %multiple_of3A_139] : memref<10000x256xf32, #tpu.memory_space<hbm>> -> memref<624x128xf32, #tpu.memory_space<hbm>>
      %dma_wait3A_150 = arith.constant 0 : i32
      %dma_wait3A_151 = tpu.memref_slice %arg10[%multiple_of3A_142, %dma_wait3A_150] : memref<10000x128xf32, #tpu.memory_space<vmem_shared>> -> memref<624x128xf32, #tpu.memory_space<vmem_shared>>
      tpu.wait_dma2 semaphore(%run_scoped3A_145 : memref<!tpu.dma_semaphore, #tpu.memory_space<semaphore_mem>>) src(%dma_wait3A_151 : memref<624x128xf32, #tpu.memory_space<vmem_shared>>) dst(%dma_wait3A_149 : memref<624x128xf32, #tpu.memory_space<hbm>>)
      tpu.yield
    }) : () -> ()
    %eq3A = arith.constant 15 : i32
    %eq3A_143 = arith.cmpi eq, %arg1, %eq3A : i32
    %convert_element_type3A = arith.extui %eq3A_143 : i1 to i32
    %cond3A = arith.constant 0 : i32
    %cond3A_144 = arith.cmpi ne, %convert_element_type3A, %cond3A : i32
    scf.if %cond3A_144 {
      "tpu.region"() ({
        %run_scoped3A_145 = tpu.sem_alloc : memref<!tpu.dma_semaphore, #tpu.memory_space<semaphore_mem>>
        %dma_start3A_146 = arith.constant 9984 : i32
        %dma_start3A_147 = tpu.memref_slice %arg5[%dma_start3A_146, %multiple_of3A_139] : memref<10000x256xf32, #tpu.memory_space<hbm>> -> memref<16x128xf32, #tpu.memory_space<hbm>>
        %dma_start3A_148 = arith.constant 9984 : i32
        %dma_start3A_149 = arith.constant 0 : i32
        %dma_start3A_150 = tpu.memref_slice %arg10[%dma_start3A_148, %dma_start3A_149] : memref<10000x128xf32, #tpu.memory_space<vmem_shared>> -> memref<16x128xf32, #tpu.memory_space<vmem_shared>>
        tpu.enqueue_dma source(%dma_start3A_150 : memref<16x128xf32, #tpu.memory_space<vmem_shared>>) target(%dma_start3A_147 : memref<16x128xf32, #tpu.memory_space<hbm>>) target_semaphore(%run_scoped3A_145 : memref<!tpu.dma_semaphore, #tpu.memory_space<semaphore_mem>>)
        %dma_wait3A_151 = arith.constant 9984 : i32
        %dma_wait3A_152 = tpu.memref_slice %arg5[%dma_wait3A_151, %multiple_of3A_139] : memref<10000x256xf32, #tpu.memory_space<hbm>> -> memref<16x128xf32, #tpu.memory_space<hbm>>
        %dma_wait3A_153 = arith.constant 9984 : i32
        %dma_wait3A_154 = arith.constant 0 : i32
        %dma_wait3A_155 = tpu.memref_slice %arg10[%dma_wait3A_153, %dma_wait3A_154] : memref<10000x128xf32, #tpu.memory_space<vmem_shared>> -> memref<16x128xf32, #tpu.memory_space<vmem_shared>>
        tpu.wait_dma2 semaphore(%run_scoped3A_145 : memref<!tpu.dma_semaphore, #tpu.memory_space<semaphore_mem>>) src(%dma_wait3A_155 : memref<16x128xf32, #tpu.memory_space<vmem_shared>>) dst(%dma_wait3A_152 : memref<16x128xf32, #tpu.memory_space<hbm>>)
        tpu.yield
      }) : () -> ()
    } else {
    }
    return
  }
}

</mosaic_0001>

<sc_bundles>
// kernel: kernel.3.cloned.1.call-start
scs
__scs_entry_jumppad:
0x0: {  	(pc) =	sbr.rel $0x88, $3  }
0x1: {  	(tag) =	ssettag $0x0;
	lr =	simm.s32 $0x1  }
0x2: {  	[smem:$0x3F9F] =	sst lr;
	_ =	strace $0xD0000000  }
0x3: {  	_ = 	snop  }
0x4: {  	_ = 	snop  }
0x5: {  	_ = 	snop  }
0x6: {  	_ = 	snop  }
0x7: {  	_ = 	snop  }
__scs_overlays_trampoline_lowered:
0x8: {  	[smem:$0x3FAE] =	sst s0  }
0x9: {  	[smem:$0x3FAF] =	sst s1  }
0xa: {  	[smem:$0x3FB0] =	sst s2  }
0xb: {  	[smem:$0x3FB1] =	sst s3  }
0xc: {  	[smem:$0x3FB2] =	sst s4  }
0xd: {  	[smem:$0x3FB3] =	sst s5  }
0xe: {  	[smem:$0x3FB4] =	sst s6  }
0xf: {  	[smem:$0x3FB5] =	sst s7  }
0x10: {  	[smem:$0x3FB6] =	sst s8  }
0x11: {  	[smem:$0x3FB7] =	sst s9;
	s0 =	simm.s32 @!p0 $0x0  }
0x12: {  	s1 =	sld [smem:$0x3F9D];
	s0 =	simm.s32 @p0 $0x1  }
0x13: {  	[smem:$0x3FB8] =	sst s0;
	s0 =	simm.s32 @!p1 $0x0  }
0x14: {  	s2 =	sld [smem:$0x3F9C];
	s0 =	simm.s32 @p1 $0x1  }
0x15: {  	[smem:$0x3FB9] =	sst s0;
	s0 =	simm.s32 @!p2 $0x0  }
0x16: {  	s3 =	sld [smem:$0x3FDB];
	s0 =	simm.s32 @p2 $0x1  }
0x17: {  	s4 =	simm.s32 $0x1BF5;
	[smem:$0x3FBB] =	sst s0  }
0x18: {  	s0 =	sld [smem:$0x3F9E];
	_ =	swait.ge [sflag:s4], $0x0  }
0x19: {  	s7 =	sld [smem:$0x3F9F]  }
0x1a: {  	s8 =	sadd.s32 $0xFFFFE003, lr  }
0x1b: {  	s9 =	sadd.s32 $0xFFFFFEF7, lr;
	s5 =	simm.s32 $0xFFFFFFFF;
	p2 =	slt.u32 s8, $0xFFFFF086  }
0x1c: {  	p1 =	slt.u32 s9, $0xF7A;
	s5 =	simm.s32 @!p2 $0x0  }
0x1d: {  	s5 =	simm.s32 @p1 $0x1;
	p0 =	seq.s32 s7, s2  }
0x1e: {  	s7 =	smul.u32 @!p0 $0xF7A, s2;
	p2 =	seq.s32 @!p0 s5, $0x0  }
0x1f: {  	s9 =	smul.u32 $0xF7A, s1;
	s8 =	simm.s32 @!p0 $0x1BF5;
	p2 =	por !p2, p0  }
0x20: {  	[sflag:s8] =	ssyncset.s32 @!p0 $0xFFFFF086;
	s6 =	sadd.s32 @!p0 s3, s7;
	s7 =	simm.s32 @!p0 $0x108  }
0x21: {  	s3 =	sadd.s32 s3, s9;
	s6 =	sadd.s32 @!p0 $0x88, s6;
	s7 =	simm.s32 @p2 $0x1082  }
0x22: {  	[simem:s7], [sflag:s8] =	dma.local @!p0 [hbm:s6], $0xF7A  }
0x23: {  	s9 =	sor.u32 $0xD0000000, s2;
	s6 =	simm.s32 $0x108;
	_ =	swait.ge @!p0 [sflag:s8], $0x0  }
0x24: {  	s3 =	sadd.s32 $0x88, s3;
	s6 =	simm.s32 @!p1 $0x1082;
	[sflag:s4] =	ssyncset.s32 $0xFFFFF086  }
0x25: {  	[simem:s6], [sflag:s4] =	dma.local [hbm:s3], $0xF7A  }
0x26: {  	[smem:$0x3F9F] =	sst s1;
	(tag) =	ssettag s2;
	_ =	strace s9  }
0x27: {  	s1 =	sld [smem:$0x3FAF]  }
0x28: {  	s2 =	sld [smem:$0x3FB0]  }
0x29: {  	s4 =	sld [smem:$0x3FB2]  }
0x2a: {  	p0 =	seq.s32 s5, $0x0;
	s5 =	sld [smem:$0x3FB3]  }
0x2b: {  	s6 =	sld [smem:$0x3FB4]  }
0x2c: {  	s7 =	sld [smem:$0x3FB5]  }
0x2d: {  	s3 =	simm.s32 $0x108;
	s8 =	sld [smem:$0x3FB6]  }
0x2e: {  	s3 =	simm.s32 @!p0 $0x1082;
	s9 =	sld [smem:$0x3FB7]  }
0x2f: {  	lr =	sadd.s32 s0, s3;
	s0 =	sld [smem:$0x3FAE]  }
0x30: {  	s3 =	sld [smem:$0x3FB1]  }
0x31: {  	[smem:$0x3FBA] =	sst s10  }
0x32: {  	s10 =	sld [smem:$0x3FB8];
	_ =	sdelay $0x3  }
0x33: {  	p0 =	seq.s32 s10, $0x1;
	s10 =	sld [smem:$0x3FBA];
	_ =	sdelay $0x3  }
0x34: {  	[smem:$0x3FBA] =	sst s10  }
0x35: {  	s10 =	sld [smem:$0x3FB9];
	_ =	sdelay $0x3  }
0x36: {  	p1 =	seq.s32 s10, $0x1;
	s10 =	sld [smem:$0x3FBA];
	_ =	sdelay $0x3  }
0x37: {  	[smem:$0x3FBA] =	sst s10  }
0x38: {  	s10 =	sld [smem:$0x3FBB]  }
0x39: {  	_ = 	snop;
	(pc) =	sbr.ind lr, $3  }
0x3a: {  	_ = 	snop  }
0x3b: {  	_ = 	snop  }
0x3c: {  	p2 =	seq.s32 s10, $0x1;
	s10 =	sld [smem:$0x3FBA]  }
0x3d: {  	_ =	shalt  }
0x3e: {  	_ =	shalt  }
0x3f: {  	_ =	shalt  }
0x40: {  	_ =	shalt  }
0x41: {  	_ =	shalt  }
0x42: {  	_ =	shalt  }
0x43: {  	_ =	shalt  }
0x44: {  	_ =	shalt  }
0x45: {  	_ =	shalt  }
0x46: {  	_ =	shalt  }
0x47: {  	_ =	shalt  }
0x48: {  	_ =	shalt  }
0x49: {  	_ =	shalt  }
0x4a: {  	_ =	shalt  }
0x4b: {  	_ =	shalt  }
0x4c: {  	_ =	shalt  }
0x4d: {  	_ =	shalt  }
0x4e: {  	_ =	shalt  }
0x4f: {  	_ =	shalt  }
0x50: {  	_ =	shalt  }
0x51: {  	_ =	shalt  }
0x52: {  	_ =	shalt  }
0x53: {  	_ =	shalt  }
0x54: {  	_ =	shalt  }
0x55: {  	_ =	shalt  }
0x56: {  	_ =	shalt  }
0x57: {  	_ =	shalt  }
0x58: {  	_ =	shalt  }
0x59: {  	_ =	shalt  }
0x5a: {  	_ =	shalt  }
0x5b: {  	_ =	shalt  }
0x5c: {  	_ =	shalt  }
0x5d: {  	_ =	shalt  }
0x5e: {  	_ =	shalt  }
0x5f: {  	_ =	shalt  }
0x60: {  	_ =	shalt  }
0x61: {  	_ =	shalt  }
0x62: {  	_ =	shalt  }
0x63: {  	_ =	shalt  }
0x64: {  	_ =	shalt  }
0x65: {  	_ =	shalt  }
0x66: {  	_ =	shalt  }
0x67: {  	_ =	shalt  }
0x68: {  	_ =	shalt  }
0x69: {  	_ =	shalt  }
0x6a: {  	_ =	shalt  }
0x6b: {  	_ =	shalt  }
0x6c: {  	_ =	shalt  }
0x6d: {  	_ =	shalt  }
0x6e: {  	_ =	shalt  }
0x6f: {  	_ =	shalt  }
0x70: {  	_ =	shalt  }
0x71: {  	_ =	shalt  }
0x72: {  	_ =	shalt  }
0x73: {  	_ =	shalt  }
0x74: {  	_ =	shalt  }
0x75: {  	_ =	shalt  }
0x76: {  	_ =	shalt  }
0x77: {  	_ =	shalt  }
0x78: {  	_ =	shalt  }
0x79: {  	_ =	shalt  }
0x7a: {  	_ =	shalt  }
0x7b: {  	_ =	shalt  }
0x7c: {  	_ =	shalt  }
0x7d: {  	_ =	shalt  }
0x7e: {  	_ =	shalt  }
0x7f: {  	_ =	shalt  }
0x80: {  	_ =	shalt  }
0x81: {  	_ =	shalt  }
0x82: {  	_ =	shalt  }
0x83: {  	_ =	shalt  }
0x84: {  	_ =	shalt  }
0x85: {  	_ =	shalt  }
0x86: {  	_ =	shalt  }
0x87: {  	_ =	shalt  }
.Lfunc_end0:
.L_simem_size_0:
called_computation_lowered:
.L_overlay_start_0:
0x88: {  	s2 =	sld [smem:$0x3FD9]  }
0x89: {  	s3 =	sld [smem:$0x3FFE];
	_ =	sdelay $0x1  }
0x8a: {  	s1 =	srdreg.scid  }
0x8b: {  	s0 =	sand.u32 $0x1, s1  }
0x8c: {  	s17 =	sshll.u32 s0, $0xA;
	s2 =	sadd.s32 s3, s2  }
0x8d: {  	s2 =	sadd.s32 s2, s17  }
0x8e: {  	[smem:$0x3FC6] =	sst s2  }
0x8f: {  	_ = 	snop  }
0x90: {  	s2 =	sld [smem:$0x3FD0];
	(tm) =	ssettm $0x1  }
0x91: {  	s18 =	sld [smem:$0x3FFB];
	_ =	sdelay $0x3  }
0x92: {  	_ =	strace s18  }
0x93: {  	s3 =	sld [smem:$0x3FFC];
	_ =	sdelay $0x3  }
0x94: {  	_ =	strace s3  }
0x95: {  	s3 =	sld [smem:$0x3FFD];
	_ =	sdelay $0x3  }
0x96: {  	_ =	strace s3  }
0x97: {  	_ =	strace $0x8FFFFFFF  }
0x98: {  	s19 =	sld [smem:$0x3FDB];
	_ =	sdelay $0x1  }
0x99: {  	s4 =	simm.s32 $_scs_section_size  }
0x9a: {  	s5 =	simm.s32 $_size__tile_overlayer_lowered;
	s6 =	simm.s32 $_tile_overlayer_lowered  }
0x9b: {  	s22 =	simm.s32 $0x1BFF;
	s21 =	sshll.u32 s6, $0x1;
	s3 =	sadd.s32 s4, s19  }
0x9c: {  	s7 =	simm.s32 $0x0;
	s20 =	sshll.u32 s5, $0x1;
	s5 =	sadd.s32 s21, s3  }
0x9d: {  	[timem:s7], [sflag:s22] =	dma.local [hbm:s5], s20  }
0x9e: {  	_ =	swait.ge [sflag:s22], s20  }
0x9f: {  	s4 =	ssub.s32 $0x0, s20;
	[sflag:s22] =	ssyncset.done $0x0  }
0xa0: {  	[sflag:s22] =	ssyncadd.s32 s4;
	_ =	sdelay $0x1  }
0xa1: {  	s23 =	simm.s32 $0x1B8B  }
0xa2: {  	_ =	swait.ge [sflag:s23], $0x1  }
0xa3: {  	[sflag:s23] =	ssyncset.done $0x0  }
0xa4: {  	s25 =	simm.s32 $0x1B8E;
	s24 =	sld [smem:$0x3FFE];
	[sflag:s23] =	ssyncadd.s32 $0xFFFFFFFF  }
0xa5: {  	s26 =	simm.s32 $execute0_lowered;
	[smem:$0x3FD2] =	sst s25  }
0xa6: {  	s5 =	sshll.u32 s26, $0x1;
	_ =	strace $0x80000046;
	[dreg:$0x1] =	wrdreg $0xFFFFFFFF  }
0xa7: {  	s28 =	simm.s32 $_size_execute0_lowered;
	s3 =	sadd.s32 s3, s5;
	[dreg:$0x0] =	wrdreg $0x0  }
0xa8: {  	s5 =	sshll.u32 s28, $0x1;
	[dreg:$0x2] =	wrdreg s3  }
0xa9: {  	[dreg:$0x3] =	wrdreg s5  }
0xaa: {  	[dreg:$0x4] =	wrdreg $0xC0  }
0xab: {  	_ =	task [dreg:s7], $0x5FFFF  }
0xac: {  	[dreg:$0x1] =	wrdreg $0xFFFFFFFF  }
0xad: {  	[dreg:$0x0] =	wrdreg $0x60  }
0xae: {  	[dreg:$0x2] =	wrdreg s24  }
0xaf: {  	[dreg:$0x3] =	wrdreg s2  }
0xb0: {  	[dreg:$0x4] =	wrdreg $0xC7800  }
0xb1: {  	[dreg:$0x5] =	wrdreg $0x9  }
0xb2: {  	_ =	task.clear_ibuf [dreg:s7], $0x6FFFF;
	_ =	strace $0x90000046  }
0xb3: {  	s29 =	simm.s32 $0x9;
	_ =	strace $0x80000048  }
0xb4: {  	_ =	swait.ge [sflag:s29], $0x1  }
0xb5: {  	[sflag:s29] =	ssyncadd.s32 $0xFFFFFFFF  }
0xb6: {  	_ =	strace $0x90000048  }
0xb7: {  	_ =	sfence  }
0xb8: {  	s30 =	sld [smem:$0x0];
	_ =	sdelay $0x2  }
0xb9: {  	s31 =	sshll.u32 s1, $0xD;
	s1 =	sshrl.u32 s1, $0x2  }
0xba: {  	s3 =	sand.u32 $0x4000, s31;
	s1 =	sadd.s32 s1, s30  }
0xbb: {  	s0 =	sor.u32 s3, s0;
	s1 =	sshll.u32 s1, $0x11  }
0xbc: {  	s0 =	sor.u32 s1, s0  }
0xbd: {  	s0 =	sadd.s32 $0x8F2B, s0  }
0xbe: {  	[sflag:s0] =	ssyncadd.remote.s32 $0x1  }
0xbf: {  	_ =	sfence.sel $0xFFFF  }
0xc0: {  	[dreg:$0x0] =	wrdreg $0xFFFFFFFF;
	(pc) =	sbr.abs _section_cstart, $3  }
0xc1: {  	[dreg:$0x1] =	wrdreg $0xFFFFFFFF  }
0xc2: {  	_ =	task.clear_ibuf [dreg:s7], $0x2FFFF;
	_ =	strace $0x9FFFFFFF  }
0xc3: {  	(tm) =	ssettm $0x7FFFFFFF  }
tec
execute0_lowered:
.L_overlay_start_1:
0x0: {  	(tag) =	ssettag $0x1  }
0x1: {  	s0 =	rddreg [dreg:$0x0];
	s10 =	stileid.u32  }
0x2: {  	s2 =	rddreg [dreg:$0x1];
	s6 =	smul.u32 $0x2710, s10  }
0x3: {  	s1 =	rddreg [dreg:$0x2];
	s8 =	smul.u32 $0x4E200, s10  }
0x4: {  	s3 =	srdreg.scid;
	s21 =	smul.u32 $0x27000, s10  }
0x5: {  	s5 =	sand.u32 $0x1, s3;
	s3 =	simm.s32 $0x0;
	s23 =	smul.u32 $0x4E000, s10  }
0x6: {  	s26 =	sshll.u32 s10, $0xB;
	p0 =	sne.s32 s10, $0xF;
	s4 =	smul.u32 $0x27100, s5  }
0x7: {  	s10 =	simm.s32 $0x3;
	[smem:$0x7FF] =	sst s3;
	s7 =	ssub.s32 $0x2, s5  }
0x8: {  	s22 =	sshll.u32 s5, $0xA;
	s5 =	sshll.u32 s5, $0x7;
	s6 =	sadd.s32 s6, s4  }
0x9: {  	_ =	strace $0x80000047;
	s9 =	sshrl.u32 s7, $0x1;
	s6 =	sshrl.u32 s6, $0x3  }
0xa: {  	s8 =	sshrl.u32 s8, $0x2;
	s25 =	sshrl.u32 s23, $0x2;
	s6 =	sadd.s32 s6, s0  }
0xb: {  	s4 =	sadd.s32 $0x11E00, s0;
	s7 =	ssub.s32 s7, s9;
	s6 =	sadd.s32 $0x8000, s6  }
0xc: {  	s0 =	sadd.s32 s0, s26;
	[dreg:$0x4] =	wrdreg s6;
	s6 =	sadd.s32 s8, s1  }
0xd: {  	s23 =	smax.u32 s7, $0x1;
	[dreg:$0x5] =	wrdreg s0;
	s11 =	sadd.s32 $0xC80, s6  }
0xe: {  	s26 =	sadd.s32 s5, s2;
	s12 =	sadd.s32 $0x1900, s6;
	[dreg:$0x6] =	wrdreg s11  }
0xf: {  	s0 =	sor.u32 s22, s21;
	s13 =	sadd.s32 $0x2580, s6;
	[dreg:$0x7] =	wrdreg s12  }
0x10: {  	s0 =	sshrl.u32 s0, $0x3;
	s14 =	sadd.s32 $0x3200, s6;
	[dreg:$0x8] =	wrdreg s13  }
0x11: {  	s15 =	sadd.s32 $0x3E80, s6;
	s16 =	sadd.s32 $0x4B00, s6;
	[dreg:$0x9] =	wrdreg s14  }
0x12: {  	s17 =	sadd.s32 $0x5780, s6;
	s18 =	sadd.s32 $0x6400, s6;
	[dreg:$0xa] =	wrdreg s15  }
0x13: {  	s19 =	sadd.s32 $0x7080, s6;
	s20 =	sadd.s32 $0x7D00, s6;
	[dreg:$0xb] =	wrdreg s16  }
0x14: {  	s8 =	sadd.s32 $0x8980, s6;
	s24 =	sadd.s32 $0xA280, s6;
	[dreg:$0xc] =	wrdreg s17  }
0x15: {  	s0 =	sadd.s32 s2, s0;
	s2 =	sadd.s32 $0x138000, s1;
	[dreg:$0xd] =	wrdreg s18  }
0x16: {  	s28 =	sadd.s32 $0xBB80, s6;
	s29 =	sadd.s32 $0xC800, s6;
	[dreg:$0xe] =	wrdreg s19  }
0x17: {  	s30 =	sadd.s32 $0xD480, s6;
	s31 =	sadd.s32 $0xE100, s6;
	[dreg:$0xf] =	wrdreg s20  }
0x18: {  	s5 =	sadd.s32 $0x10680, s6;
	s7 =	sadd.s32 $0x11300, s6;
	[dreg:$0x10] =	wrdreg s8  }
0x19: {  	s9 =	sadd.s32 $0x12C00, s6;
	s11 =	sadd.s32 $0x9600, s6;
	[dreg:$0x12] =	wrdreg s24  }
0x1a: {  	s8 =	sadd.s32 s25, s1;
	[dreg:$0x13] =	wrdreg s0;
	s0 =	sadd.s32 $0x4E000, s26  }
0x1b: {  	s25 =	sshrl.u32 @!p0 s2, $0x3;
	s26 =	sadd.s32 $0xAF00, s6;
	s2 =	sadd.s32 $0xFA00, s6  }
0x1c: {  	s12 =	simm.s32 $0x6780;
	s13 =	simm.s32 $0x8F80;
	s14 =	simm.s32 $0xB780  }
0x1d: {  	s15 =	simm.s32 $0x1;
	s16 =	simm.s32 $0x2;
	[dreg:$0x11] =	wrdreg s11  }
0x1e: {  	s17 =	simm.s32 $0x0;
	[dreg:$0x14] =	wrdreg s0;
	s24 =	sshrl.u32 s8, $0x3  }
0x1f: {  	v0 =	vimm.f32 $0.0e+00;
	s0 =	sadd.s32 $0xED80, s6;
	s8 =	sadd.s32 $0x11F80, s6;
	s11 =	simm.s32 $0x50  }
.LBB2_1:
0x20: {  	s18 =	rddreg [dreg:$0x4]  }
0x21: {  	[tilespmem:s3], [sflag:$0x3] =	stream.linear.gather [hbm4b:s18+s3], $0x2710, $0x38;
	v63 =	vld [tilespmem:$0x0]  }
0x22: {  	_ =	swait.ge [sflag:s10], $0x2710  }
0x23: {  	[sflag:s10] =	ssyncset.done $0x0  }
0x24: {  	s19 =	simm.s32 $0x2780;
	s22 =	rddreg [dreg:$0x5];
	[sflag:s10] =	ssyncadd.s32 $0xFFFFD8F0  }
0x25: {  	[tilespmem:s19], [sflag:$0x3] =	stream.linear.gather [hbm4b:s22+s3], $0x3E80, $0x38;
	v63 =	vld [tilespmem:$0x0]  }
0x26: {  	_ =	swait.ge [sflag:s10], $0x3E80  }
0x27: {  	[sflag:s10] =	ssyncset.done $0x0  }
0x28: {  	[sflag:s10] =	ssyncadd.s32 $0xFFFFC180  }
0x29: {  	[tilespmem:s12], [sflag:$0x1] =	stream.indirect.gather [hbm4b:s4+s11], $0x80, s3, s11, $0xb8;
	v63 =	vld [tilespmem:$0x0]  }
0x2a: {  	s18 =	simm.s32 $0x0;
	s19 =	simm.s32 $0x200  }
0x2b: {  	[tilespmem:s13], [sflag:$0x2] =	stream.indirect.gather [hbm4b:s4+s11], $0x80, s11, s11, $0xb8;
	v63 =	vld [tilespmem:$0x0]  }
.LBB2_2:
0x2c: {  	p1 =	sne.s32 s19, $0x3000;
	[tilespmem:s18+$0xB7F0] =	vst v0  }
0x2d: {  	[tilespmem:s18+$0xB780] =	vst v0  }
0x2e: {  	[tilespmem:s18+$0xB790] =	vst v0  }
.Ltmp0:
0x2f: {  	[tilespmem:s18+$0xB7A0] =	vst v0;
	(pc) =	sbr.rel @p1 .LBB2_2-.Ltmp0, $4  }
0x30: {  	[tilespmem:s18+$0xB7B0] =	vst v0  }
0x31: {  	[tilespmem:s18+$0xB7C0] =	vst v0  }
0x32: {  	[tilespmem:s18+$0xB7D0] =	vst v0  }
0x33: {  	[tilespmem:s18+$0xB7E0] =	vst v0;
	s18 =	sshra.s32 s19, $0x2;
	s19 =	sadd.s32 $0x200, s19  }
0x34: {  	[tilespmem:s18+$0xB7F0] =	vst v0  }
0x35: {  	[tilespmem:s18+$0xB780] =	vst v0  }
0x36: {  	[tilespmem:s18+$0xB790] =	vst v0  }
0x37: {  	[tilespmem:s18+$0xB7A0] =	vst v0  }
0x38: {  	[tilespmem:s18+$0xB7B0] =	vst v0  }
0x39: {  	[tilespmem:s18+$0xB7C0] =	vst v0  }
0x3a: {  	[tilespmem:s18+$0xB7D0] =	vst v0  }
0x3b: {  	[tilespmem:s18+$0xB7E0] =	vst v0  }
0x3c: {  	[spmem:s6] =	stream.linear.scatter [tilespmem:s14], [sflag:$0x3], $0xC80, $0x38;
	v63 =	vld [tilespmem:$0x0]  }
0x3d: {  	_ =	swait.ge [sflag:s10], $0xC80  }
0x3e: {  	[sflag:s10] =	ssyncset.done $0x0  }
0x3f: {  	s19 =	rddreg [dreg:$0x6];
	[sflag:s10] =	ssyncadd.s32 $0xFFFFF380  }
0x40: {  	[spmem:s19] =	stream.linear.scatter [tilespmem:s14], [sflag:$0x3], $0xC80, $0x38;
	v63 =	vld [tilespmem:$0x0]  }
0x41: {  	_ =	swait.ge [sflag:s10], $0xC80  }
0x42: {  	[sflag:s10] =	ssyncset.done $0x0  }
0x43: {  	s20 =	rddreg [dreg:$0x7];
	[sflag:s10] =	ssyncadd.s32 $0xFFFFF380  }
0x44: {  	[spmem:s20] =	stream.linear.scatter [tilespmem:s14], [sflag:$0x3], $0xC80, $0x38;
	v63 =	vld [tilespmem:$0x0]  }
0x45: {  	_ =	swait.ge [sflag:s10], $0xC80  }
0x46: {  	[sflag:s10] =	ssyncset.done $0x0  }
0x47: {  	s21 =	rddreg [dreg:$0x8];
	[sflag:s10] =	ssyncadd.s32 $0xFFFFF380  }
0x48: {  	[spmem:s21] =	stream.linear.scatter [tilespmem:s14], [sflag:$0x3], $0xC80, $0x38;
	v63 =	vld [tilespmem:$0x0]  }
0x49: {  	_ =	swait.ge [sflag:s10], $0xC80  }
0x4a: {  	[sflag:s10] =	ssyncset.done $0x0  }
0x4b: {  	s22 =	rddreg [dreg:$0x9];
	[sflag:s10] =	ssyncadd.s32 $0xFFFFF380  }
0x4c: {  	[spmem:s22] =	stream.linear.scatter [tilespmem:s14], [sflag:$0x3], $0xC80, $0x38;
	v63 =	vld [tilespmem:$0x0]  }
0x4d: {  	_ =	swait.ge [sflag:s10], $0xC80  }
0x4e: {  	[sflag:s10] =	ssyncset.done $0x0  }
0x4f: {  	s19 =	rddreg [dreg:$0xa];
	[sflag:s10] =	ssyncadd.s32 $0xFFFFF380  }
0x50: {  	[spmem:s19] =	stream.linear.scatter [tilespmem:s14], [sflag:$0x3], $0xC80, $0x38;
	v63 =	vld [tilespmem:$0x0]  }
0x51: {  	_ =	swait.ge [sflag:s10], $0xC80  }
0x52: {  	[sflag:s10] =	ssyncset.done $0x0  }
0x53: {  	s20 =	rddreg [dreg:$0xb];
	[sflag:s10] =	ssyncadd.s32 $0xFFFFF380  }
0x54: {  	[spmem:s20] =	stream.linear.scatter [tilespmem:s14], [sflag:$0x3], $0xC80, $0x38;
	v63 =	vld [tilespmem:$0x0]  }
0x55: {  	_ =	swait.ge [sflag:s10], $0xC80  }
0x56: {  	[sflag:s10] =	ssyncset.done $0x0  }
0x57: {  	s21 =	rddreg [dreg:$0xc];
	[sflag:s10] =	ssyncadd.s32 $0xFFFFF380  }
0x58: {  	[spmem:s21] =	stream.linear.scatter [tilespmem:s14], [sflag:$0x3], $0xC80, $0x38;
	v63 =	vld [tilespmem:$0x0]  }
0x59: {  	_ =	swait.ge [sflag:s10], $0xC80  }
0x5a: {  	[sflag:s10] =	ssyncset.done $0x0  }
0x5b: {  	s22 =	rddreg [dreg:$0xd];
	[sflag:s10] =	ssyncadd.s32 $0xFFFFF380  }
0x5c: {  	[spmem:s22] =	stream.linear.scatter [tilespmem:s14], [sflag:$0x3], $0xC80, $0x38;
	v63 =	vld [tilespmem:$0x0]  }
0x5d: {  	_ =	swait.ge [sflag:s10], $0xC80  }
0x5e: {  	[sflag:s10] =	ssyncset.done $0x0  }
0x5f: {  	s19 =	rddreg [dreg:$0xe];
	[sflag:s10] =	ssyncadd.s32 $0xFFFFF380  }
0x60: {  	[spmem:s19] =	stream.linear.scatter [tilespmem:s14], [sflag:$0x3], $0xC80, $0x38;
	v63 =	vld [tilespmem:$0x0]  }
0x61: {  	_ =	swait.ge [sflag:s10], $0xC80  }
0x62: {  	[sflag:s10] =	ssyncset.done $0x0  }
0x63: {  	s20 =	rddreg [dreg:$0xf];
	[sflag:s10] =	ssyncadd.s32 $0xFFFFF380  }
0x64: {  	[spmem:s20] =	stream.linear.scatter [tilespmem:s14], [sflag:$0x3], $0xC80, $0x38;
	v63 =	vld [tilespmem:$0x0]  }
0x65: {  	_ =	swait.ge [sflag:s10], $0xC80  }
0x66: {  	[sflag:s10] =	ssyncset.done $0x0  }
0x67: {  	s21 =	rddreg [dreg:$0x10];
	[sflag:s10] =	ssyncadd.s32 $0xFFFFF380  }
0x68: {  	[spmem:s21] =	stream.linear.scatter [tilespmem:s14], [sflag:$0x3], $0xC80, $0x38;
	v63 =	vld [tilespmem:$0x0]  }
0x69: {  	_ =	swait.ge [sflag:s10], $0xC80  }
0x6a: {  	[sflag:s10] =	ssyncset.done $0x0  }
0x6b: {  	s22 =	rddreg [dreg:$0x11];
	[sflag:s10] =	ssyncadd.s32 $0xFFFFF380  }
0x6c: {  	[spmem:s22] =	stream.linear.scatter [tilespmem:s14], [sflag:$0x3], $0xC80, $0x38;
	v63 =	vld [tilespmem:$0x0]  }
0x6d: {  	_ =	swait.ge [sflag:s10], $0xC80  }
0x6e: {  	[sflag:s10] =	ssyncset.done $0x0  }
0x6f: {  	s19 =	rddreg [dreg:$0x12];
	[sflag:s10] =	ssyncadd.s32 $0xFFFFF380  }
0x70: {  	[spmem:s19] =	stream.linear.scatter [tilespmem:s14], [sflag:$0x3], $0xC80, $0x38;
	v63 =	vld [tilespmem:$0x0]  }
0x71: {  	_ =	swait.ge [sflag:s10], $0xC80  }
0x72: {  	[sflag:s10] =	ssyncset.done $0x0  }
0x73: {  	[sflag:s10] =	ssyncadd.s32 $0xFFFFF380  }
0x74: {  	[spmem:s26] =	stream.linear.scatter [tilespmem:s14], [sflag:$0x3], $0xC80, $0x38;
	v63 =	vld [tilespmem:$0x0]  }
0x75: {  	_ =	swait.ge [sflag:s10], $0xC80  }
0x76: {  	[sflag:s10] =	ssyncset.done $0x0  }
0x77: {  	[sflag:s10] =	ssyncadd.s32 $0xFFFFF380  }
0x78: {  	[spmem:s28] =	stream.linear.scatter [tilespmem:s14], [sflag:$0x3], $0xC80, $0x38;
	v63 =	vld [tilespmem:$0x0]  }
0x79: {  	_ =	swait.ge [sflag:s10], $0xC80  }
0x7a: {  	[sflag:s10] =	ssyncset.done $0x0  }
0x7b: {  	[sflag:s10] =	ssyncadd.s32 $0xFFFFF380  }
0x7c: {  	[spmem:s29] =	stream.linear.scatter [tilespmem:s14], [sflag:$0x3], $0xC80, $0x38;
	v63 =	vld [tilespmem:$0x0]  }
0x7d: {  	_ =	swait.ge [sflag:s10], $0xC80  }
0x7e: {  	[sflag:s10] =	ssyncset.done $0x0  }
0x7f: {  	[sflag:s10] =	ssyncadd.s32 $0xFFFFF380  }
0x80: {  	[spmem:s30] =	stream.linear.scatter [tilespmem:s14], [sflag:$0x3], $0xC80, $0x38;
	v63 =	vld [tilespmem:$0x0]  }
0x81: {  	_ =	swait.ge [sflag:s10], $0xC80  }
0x82: {  	[sflag:s10] =	ssyncset.done $0x0  }
0x83: {  	[sflag:s10] =	ssyncadd.s32 $0xFFFFF380  }
0x84: {  	[spmem:s31] =	stream.linear.scatter [tilespmem:s14], [sflag:$0x3], $0xC80, $0x38;
	v63 =	vld [tilespmem:$0x0]  }
0x85: {  	_ =	swait.ge [sflag:s10], $0xC80  }
0x86: {  	[sflag:s10] =	ssyncset.done $0x0  }
0x87: {  	[sflag:s10] =	ssyncadd.s32 $0xFFFFF380  }
0x88: {  	[spmem:s0] =	stream.linear.scatter [tilespmem:s14], [sflag:$0x3], $0xC80, $0x38;
	v63 =	vld [tilespmem:$0x0]  }
0x89: {  	_ =	swait.ge [sflag:s10], $0xC80  }
0x8a: {  	[sflag:s10] =	ssyncset.done $0x0  }
0x8b: {  	[sflag:s10] =	ssyncadd.s32 $0xFFFFF380  }
0x8c: {  	[spmem:s2] =	stream.linear.scatter [tilespmem:s14], [sflag:$0x3], $0xC80, $0x38;
	v63 =	vld [tilespmem:$0x0]  }
0x8d: {  	_ =	swait.ge [sflag:s10], $0xC80  }
0x8e: {  	[sflag:s10] =	ssyncset.done $0x0  }
0x8f: {  	[sflag:s10] =	ssyncadd.s32 $0xFFFFF380  }
0x90: {  	[spmem:s5] =	stream.linear.scatter [tilespmem:s14], [sflag:$0x3], $0xC80, $0x38;
	v63 =	vld [tilespmem:$0x0]  }
0x91: {  	_ =	swait.ge [sflag:s10], $0xC80  }
0x92: {  	[sflag:s10] =	ssyncset.done $0x0  }
0x93: {  	[sflag:s10] =	ssyncadd.s32 $0xFFFFF380  }
0x94: {  	[spmem:s7] =	stream.linear.scatter [tilespmem:s14], [sflag:$0x3], $0xC80, $0x38;
	v63 =	vld [tilespmem:$0x0]  }
0x95: {  	_ =	swait.ge [sflag:s10], $0xC80  }
0x96: {  	[sflag:s10] =	ssyncset.done $0x0  }
0x97: {  	[sflag:s10] =	ssyncadd.s32 $0xFFFFF380  }
0x98: {  	[spmem:s8] =	stream.linear.scatter [tilespmem:s14], [sflag:$0x3], $0xC80, $0x38;
	v63 =	vld [tilespmem:$0x0]  }
0x99: {  	_ =	swait.ge [sflag:s10], $0xC80  }
0x9a: {  	[sflag:s10] =	ssyncset.done $0x0  }
0x9b: {  	[sflag:s10] =	ssyncadd.s32 $0xFFFFF380  }
0x9c: {  	[spmem:s9] =	stream.linear.scatter [tilespmem:s14], [sflag:$0x3], $0xC80, $0x38;
	v63 =	vld [tilespmem:$0x0]  }
0x9d: {  	_ =	swait.ge [sflag:s10], $0xC80  }
0x9e: {  	[sflag:s10] =	ssyncset.done $0x0  }
0x9f: {  	[sflag:s10] =	ssyncadd.s32 $0xFFFFF380  }
0xa0: {  	[bflag:$0x0] =	sbarrier.arrive $0xFFFF  }
0xa1: {  	_ =	swait.ge [sflag:s15], $0x2800  }
0xa2: {  	[sflag:s15] =	ssyncset.done $0x0  }
0xa3: {  	s20 =	simm.s32 $0x2780;
	[sflag:s15] =	ssyncadd.s32 $0xFFFFD800  }
0xa4: {  	[spmem:s1] =	stream.indirect.scatter.add.f32 [tilespmem:s12], [sflag:$0x3], $0x80, s20, s11, $0xb8;
	v63 =	vld [tilespmem:$0x0]  }
0xa5: {  	_ =	swait.ge [sflag:s10], $0x2800  }
0xa6: {  	[sflag:s10] =	ssyncset.done $0x0  }
0xa7: {  	s21 =	simm.s32 $0xA0;
	[sflag:s10] =	ssyncadd.s32 $0xFFFFD800  }
0xa8: {  	[tilespmem:s12], [sflag:$0x1] =	stream.indirect.gather [hbm4b:s4+s11], $0x80, s21, s11, $0xb8;
	v63 =	vld [tilespmem:$0x0]  }
0xa9: {  	_ =	swait.ge [sflag:s16], $0x2800  }
0xaa: {  	[sflag:s16] =	ssyncset.done $0x0  }
0xab: {  	s22 =	simm.s32 $0x2800;
	[sflag:s16] =	ssyncadd.s32 $0xFFFFD800  }
0xac: {  	[spmem:s1] =	stream.indirect.scatter.add.f32 [tilespmem:s13], [sflag:$0x3], $0x80, s22, s11, $0xb8;
	v63 =	vld [tilespmem:$0x0]  }
0xad: {  	_ =	swait.ge [sflag:s10], $0x2800  }
0xae: {  	s18 =	simm.s32 $0xF0;
	[sflag:s10] =	ssyncset.done $0x0  }
0xaf: {  	s19 =	simm.s32 $0x400;
	s20 =	simm.s32 $0x190;
	[sflag:s10] =	ssyncadd.s32 $0xFFFFD800  }
.LBB2_4:
0xb0: {  	[tilespmem:s13], [sflag:$0x2] =	stream.indirect.gather [hbm4b:s4+s11], $0x80, s18, s11, $0xb8;
	v63 =	vld [tilespmem:$0x0]  }
0xb1: {  	s21 =	smov.u32 s19;
	s18 =	smov.u32 s20  }
0xb2: {  	p1 =	sne.s32 s19, $0xF000;
	s19 =	sadd.s32 $0x400, s19;
	_ =	swait.ge [sflag:s15], $0x2800  }
0xb3: {  	s21 =	sshra.s32 s21, $0x2;
	[sflag:s15] =	ssyncset.done $0x0  }
0xb4: {  	s22 =	sadd.s32 $0x2780, s21;
	[sflag:s15] =	ssyncadd.s32 $0xFFFFD800  }
0xb5: {  	[spmem:s1] =	stream.indirect.scatter.add.f32 [tilespmem:s12], [sflag:$0x3], $0x80, s22, s11, $0xb8;
	v63 =	vld [tilespmem:$0x0]  }
0xb6: {  	_ =	swait.ge [sflag:s10], $0x2800  }
0xb7: {  	[sflag:s10] =	ssyncset.done $0x0  }
0xb8: {  	s22 =	sadd.s32 $0xFFFFFFB0, s20;
	[sflag:s10] =	ssyncadd.s32 $0xFFFFD800  }
0xb9: {  	[tilespmem:s12], [sflag:$0x1] =	stream.indirect.gather [hbm4b:s4+s11], $0x80, s22, s11, $0xb8;
	v63 =	vld [tilespmem:$0x0]  }
0xba: {  	_ =	swait.ge [sflag:s16], $0x2800  }
0xbb: {  	[sflag:s16] =	ssyncset.done $0x0  }
.Ltmp1:
0xbc: {  	s21 =	sadd.s32 $0x2800, s21;
	[sflag:s16] =	ssyncadd.s32 $0xFFFFD800;
	(pc) =	sbr.rel @p1 .LBB2_4-.Ltmp1, $4  }
0xbd: {  	[spmem:s1] =	stream.indirect.scatter.add.f32 [tilespmem:s13], [sflag:$0x3], $0x80, s21, s11, $0xb8;
	v63 =	vld [tilespmem:$0x0]  }
0xbe: {  	_ =	swait.ge [sflag:s10], $0x2800  }
0xbf: {  	[sflag:s10] =	ssyncset.done $0x0  }
0xc0: {  	s20 =	sadd.s32 $0xA0, s20;
	[sflag:s10] =	ssyncadd.s32 $0xFFFFD800  }
0xc1: {  	[tilespmem:s13], [sflag:$0x2] =	stream.indirect.gather [hbm4b:s4+s11], $0x80, s18, s11, $0xb8;
	v63 =	vld [tilespmem:$0x0]  }
0xc2: {  	_ =	swait.ge [sflag:s15], $0x2800  }
0xc3: {  	[sflag:s15] =	ssyncset.done $0x0  }
0xc4: {  	s22 =	simm.s32 $0x6480;
	[sflag:s15] =	ssyncadd.s32 $0xFFFFD800  }
0xc5: {  	[spmem:s1] =	stream.indirect.scatter.add.f32 [tilespmem:s12], [sflag:$0x3], $0x80, s22, s11, $0xb8;
	v63 =	vld [tilespmem:$0x0]  }
0xc6: {  	_ =	swait.ge [sflag:s10], $0x2800  }
0xc7: {  	[sflag:s10] =	ssyncset.done $0x0  }
0xc8: {  	s19 =	simm.s32 $0x26C0;
	[sflag:s10] =	ssyncadd.s32 $0xFFFFD800  }
0xc9: {  	[tilespmem:s12], [sflag:$0x1] =	stream.indirect.gather [hbm4b:s4+s11], $0x80, s19, s11, $0xb8;
	v63 =	vld [tilespmem:$0x0]  }
0xca: {  	_ =	swait.ge [sflag:s16], $0x2800  }
0xcb: {  	[sflag:s16] =	ssyncset.done $0x0  }
0xcc: {  	s20 =	simm.s32 $0x6500;
	[sflag:s16] =	ssyncadd.s32 $0xFFFFD800  }
0xcd: {  	[spmem:s1] =	stream.indirect.scatter.add.f32 [tilespmem:s13], [sflag:$0x3], $0x80, s20, s11, $0xb8;
	v63 =	vld [tilespmem:$0x0]  }
0xce: {  	_ =	swait.ge [sflag:s10], $0x2800  }
0xcf: {  	[sflag:s10] =	ssyncset.done $0x0  }
0xd0: {  	[sflag:s10] =	ssyncadd.s32 $0xFFFFD800  }
0xd1: {  	_ =	swait.ge [sflag:s15], $0x2800  }
0xd2: {  	[sflag:s15] =	ssyncset.done $0x0  }
0xd3: {  	s21 =	simm.s32 $0x6580;
	[sflag:s15] =	ssyncadd.s32 $0xFFFFD800  }
0xd4: {  	[spmem:s1] =	stream.indirect.scatter.add.f32 [tilespmem:s12], [sflag:$0x3], $0x80, s21, s11, $0xb8;
	v63 =	vld [tilespmem:$0x0]  }
0xd5: {  	_ =	swait.ge [sflag:s10], $0x2800  }
0xd6: {  	s22 =	stileid.u32;
	[sflag:s10] =	ssyncset.done $0x0  }
0xd7: {  	s17 =	sadd.s32 $0x1, s17;
	s18 =	sshll.u32 s22, $0x6;
	[sflag:s10] =	ssyncadd.s32 $0xFFFFD800  }
0xd8: {  	s22 =	simm.s32 $0x80;
	s18 =	sor.u32 $0x1C03, s18;
	[bflag:$0x0] =	sbarrier.arrive $0xFFFF  }
0xd9: {  	s20 =	simm.s32 $0x8;
	s21 =	simm.s32 $0x100;
	s19 =	rddreg [dreg:$0x13]  }
0xda: {  	[hbm:s19@s21], [sflag:s18] =	dma.strided [spmem:s24@s22], $0x2700, s20, $0x10   }
0xdb: {  	p1 =	sne.s32 s17, s23;
	_ =	swait.ge [sflag:s10], $0x2700  }
0xdc: {  	s19 =	simm.s32 @!p0 $0x8;
	s20 =	simm.s32 @!p0 $0x100;
	[sflag:s10] =	ssyncset.done $0x0  }
0xdd: {  	s21 =	simm.s32 @!p0 $0x80;
	s22 =	rddreg [dreg:$0x14];
	[sflag:s10] =	ssyncadd.s32 $0xFFFFD900  }
0xde: {  	[hbm:s22@s20], [sflag:s18] =	dma.strided @!p0 [spmem:s25@s21], $0x100, s19, $0x10   }
.Ltmp2:
0xdf: {  	_ = 	snop;
	(pc) =	sbr.rel @p1 .LBB2_1-.Ltmp2, $4  }
0xe0: {  	s18 =	simm.s32 @!p0 $0x3  }
0xe1: {  	_ =	swait.ge @!p0 [sflag:s18], $0x100  }
0xe2: {  	[sflag:s18] =	ssyncset.done @!p0 $0x0  }
0xe3: {  	[sflag:s18] =	ssyncadd.s32 @!p0 $0xFFFFFF00  }
0xe4: {  	_ =	sfence.sel $0x180000  }
0xe5: {  	[bflag:$0x0] =	sbarrier.arrive $0xFFFF  }
0xe6: {  	_ =	strace $0x90000047  }
0xe7: {  	s0 =	stileid.u32;
	[bflag:$0x2] =	sbarrier.arrive $0xFFFF  }
0xe8: {  	p0 =	sne.s32 s0, $0x0;
	s0 =	rddreg [dreg:$0x3]  }
0xe9: {  	s0 =	sadd.s32 @!p0 $0x100000, s0  }
0xea: {  	[sflag:s0] =	ssyncadd.tile.s32 @!p0 $0x1;
	_ =	shalt  }
.Lfunc_end2:
_tile_overlayer_lowered:
.L_overlay_start_2:
0xeb: {  	(tag) =	ssettag $0x2  }
0xec: {  	s0 =	rddreg [dreg:$0x0];
	s2 =	stileid.u32  }
0xed: {  	s1 =	rddreg [dreg:$0x1];
	p0 =	sne.s32 s2, $0x0  }
0xee: {  	s3 =	rddreg [dreg:$0x2];
	[bflag:$0x3] =	sbarrier.arrive $0xFFFF;
	s2 =	simm.s32 @!p0 $0x1C03  }
0xef: {  	[timem:s3], [sflag:s2] =	dma.local @!p0 [hbm:s0], s1  }
0xf0: {  	s0 =	simm.s32 @!p0 $0x3  }
0xf1: {  	_ =	swait.ge @!p0 [sflag:s0], s1  }
0xf2: {  	s1 =	ssub.s32 @!p0 $0x0, s1;
	[sflag:s0] =	ssyncset.done @!p0 $0x0  }
0xf3: {  	[sflag:s0] =	ssyncadd.s32 @!p0 s1  }
0xf4: {  	[bflag:$0x3] =	sbarrier.arrive $0xFFFF  }
0xf5: {  	_ =	shalt  }

</sc_bundles>
